<compile_context>
chip_gen: v7x
topology: tpu7x:2x2x1
jax: 0.10.2.dev20260603
libtpu: 0.0.44.dev20260713+nightly
codegen_flags: <defaults>
</compile_context>

<pallas_src>
import functools

import numpy as np
import jax
import jax.numpy as jnp
from jax import lax
from jax.experimental import pallas as pl
from jax.experimental.pallas import tpu as pltpu
from jax.experimental.pallas import tpu_sc as plsc

VOCAB = 1000
DIM = 128
DEPTH = 3
MAXPOS = 512
DECO = 0.1
S = 50
SP = 56
IDP = 64
VP = 1024
NC, NS, LANES = 2, 16, 16
NW = NC * NS
GB = 8
TW = 256
EW = VP // 2
E0R = 32
E1R = 24
GR = 56


def _pos_encoding_np(max_len, d):
    position = np.arange(max_len, dtype=np.float32)[:, None]
    div_term = np.exp(np.arange(0, d, 2, dtype=np.float32) * -(np.log(10000.0) / d))
    pe = np.zeros((max_len, d), dtype=np.float32)
    pe[:, 0::2] = np.sin(position * div_term)
    pe[:, 1::2] = np.cos(position * div_term)
    quantum_phase = np.sin(position * np.pi / max_len)
    pe = pe * (1.0 + 0.1 * quantum_phase)
    return pe


def _np_consts(s):
    pe_np = np.zeros((GR, DIM), dtype=np.float32)
    pe_np[:s] = _pos_encoding_np(MAXPOS, DIM)[:s]
    pe = jnp.asarray(pe_np)
    pos = np.arange(s, dtype=np.float32)
    dist = np.abs(pos[None, :] - pos[:, None])
    decay = np.exp(-DECO * dist) * (1.0 - np.eye(s, dtype=np.float32))
    cmask = np.zeros((s, SP), dtype=np.float32)
    cmask[:, :s] = decay
    return pe, jnp.asarray(cmask)


def _sc_body(bpw, ids_hbm, tab_hbm, ent_hbm, g_hbm, c_hbm,
             idvt, tbuf0, tbuf1, ebuf0, ebuf1, cbuf0, cbuf1,
             semt0, semt1, seme0, seme1,
             semg0, semg1, semc0, semc1):
    wid = lax.axis_index("s") * NC + lax.axis_index("c")
    base = wid * bpw
    tbufs = (tbuf0, tbuf1)
    ebufs = (ebuf0, ebuf1)
    cbufs = (cbuf0, cbuf1)
    semt = (semt0, semt1)
    seme = (seme0, seme1)
    semg = (semg0, semg1)
    semc = (semc0, semc1)

    def issue_t(k, slot):
        pltpu.async_copy(tab_hbm.at[idvt.at[k]], tbufs[slot], semt[slot])

    def issue_e(k, slot):
        pltpu.async_copy(ent_hbm.at[idvt.at[k]], ebufs[slot], seme[slot])

    pltpu.sync_copy(ids_hbm.at[pl.ds(base, bpw)], idvt)

    issue_t(0, 0)
    issue_e(0, 0)

    def compress(ebuf, nrows, row0, k, cb):
        offs = (0, 16, 32, 40)
        cols = [idvt[k, pl.ds(o, LANES)] for o in offs]
        chs = [c >> 1 for c in cols]
        sels = [(c & 1) == 1 for c in cols]

        def row(i, c2):
            spl = jnp.full((LANES,), i, dtype=jnp.int32)
            for g in range(4):
                v = plsc.load_gather(ebuf, [spl, chs[g]])
                lo = v << 16
                hi = v & jnp.int32(-65536)
                f = plsc.bitcast(jnp.where(sels[g], hi, lo), jnp.float32)
                cb[pl.ds((row0 + i) * SP + offs[g], LANES)] = f
            return c2
        lax.fori_loop(0, nrows, row, 0)

    def step(k, par):
        b = base + k
        kn = jnp.minimum(k + 1, bpw - 1)

        @pl.when(k >= 1)
        def _():
            pltpu.make_async_copy(tbufs[1 - par], g_hbm.at[b - 1], semg[1 - par]).wait()
        issue_t(kn, 1 - par)
        issue_e(kn, 1 - par)

        @pl.when(k >= 2)
        def _():
            pltpu.make_async_copy(cbufs[par], c_hbm.at[b - 2], semc[par]).wait()

        pltpu.make_async_copy(ent_hbm.at[idvt.at[k]], ebufs[par], seme[par]).wait()
        compress(ebufs[par], S, 0, k, cbufs[par])
        pltpu.async_copy(cbufs[par], c_hbm.at[b], semc[par])

        pltpu.make_async_copy(tab_hbm.at[idvt.at[k]], tbufs[par], semt[par]).wait()
        pltpu.async_copy(tbufs[par].at[pl.ds(0, GR)], g_hbm.at[b], semg[par])

    def pair(kk, c):
        step(kk * 2, 0)
        step(kk * 2 + 1, 1)
        return c
    lax.fori_loop(0, bpw // 2, pair, 0)

    last = bpw - 1
    pltpu.make_async_copy(tab_hbm.at[idvt.at[last]], tbufs[0], semt[0]).wait()
    pltpu.make_async_copy(ent_hbm.at[idvt.at[last]], ebufs[0], seme[0]).wait()
    pltpu.make_async_copy(tbufs[1].at[pl.ds(0, GR)], g_hbm.at[base + last], semg[1]).wait()
    pltpu.make_async_copy(cbufs[0], c_hbm.at[base + last - 1], semc[0]).wait()
    pltpu.make_async_copy(cbufs[1], c_hbm.at[base + last], semc[1]).wait()


def _sc_gather(ids_flat, tabp, entp, batch):
    bpw = batch // NW
    mesh = plsc.VectorSubcoreMesh(core_axis_name="c", subcore_axis_name="s")
    fn = pl.kernel(
        functools.partial(_sc_body, bpw),
        out_type=[
            jax.ShapeDtypeStruct((batch, GR, TW), jnp.int32),
            jax.ShapeDtypeStruct((batch, S * SP), jnp.float32),
        ],
        mesh=mesh,
        compiler_params=pltpu.CompilerParams(needs_layout_passes=False),
        scratch_types=[
            pltpu.VMEM((bpw, IDP), jnp.int32),
            pltpu.VMEM((IDP, TW), jnp.int32),
            pltpu.VMEM((IDP, TW), jnp.int32),
            pltpu.VMEM((IDP, EW), jnp.int32),
            pltpu.VMEM((IDP, EW), jnp.int32),
            pltpu.VMEM((S * SP,), jnp.float32),
            pltpu.VMEM((S * SP,), jnp.float32),
        ] + [pltpu.SemaphoreType.DMA] * 8,
    )
    return fn(ids_flat, tabp, entp)


def _tc_body(s, g_ref, c_ref, pe_ref, cmask_ref, evo_w_ref, evo_b_ref,
             dec_w_ref, dec_b_ref, ln_g_ref, ln_b_ref, out_ref):
    gw = g_ref[...]
    va = lax.bitcast_convert_type(gw << 16, jnp.float32)
    vb = lax.bitcast_convert_type(gw & jnp.int32(-65536), jnp.float32)
    emb = va[:, :, :DIM]
    qr = va[:, :, DIM:]
    qi = vb[:, :, :DIM]
    pe = pe_ref[...]

    x0 = emb + pe[None]
    real = x0 + qr
    mag = jnp.sqrt(real * real + qi * qi + 1e-8)
    xg = x0 + 0.1 * mag * jnp.tanh(real)
    rowm = (lax.broadcasted_iota(jnp.int32, (GR, 1), 0) < s).astype(jnp.float32)
    xpad = (xg * rowm[None])[:, :SP, :]
    x = xg[:, :s, :]

    cm = c_ref[...] * cmask_ref[...][None]
    dn = (((1,), (0,)), ((), ()))
    ys = [lax.dot_general(cm[k], xpad[k], dn, preferred_element_type=jnp.float32)
          for k in range(GB)]
    x = x + 0.1 * jnp.stack(ys)

    xf = x.reshape(GB * s, DIM)
    dnt = (((1,), (1,)), ((), ()))
    for step in range(DEPTH):
        ev = (lax.dot_general(xf, evo_w_ref[step], dnt,
                              preferred_element_type=jnp.float32)
              + evo_b_ref[step][None])
        gate = jax.nn.sigmoid(
            lax.dot_general(xf, dec_w_ref[step], dnt,
                            preferred_element_type=jnp.float32)
            + dec_b_ref[step][None])
        xf = ev * gate + xf * (1.0 - gate)

    mu = jnp.mean(xf, axis=-1, keepdims=True)
    var = jnp.mean((xf - mu) ** 2, axis=-1, keepdims=True)
    out = (xf - mu) * lax.rsqrt(var + 1e-5) * ln_g_ref[...][None] + ln_b_ref[...][None]
    out_ref[...] = out.reshape(GB, s, DIM)


def _tc_dense(s, batch, g, c, pe, cmask, evo_w, evo_b, dec_w, dec_b, ln_g, ln_b):
    grid = (batch // GB,)
    rep2 = lambda i: (0, 0)
    rep1 = lambda i: (0,)
    return pl.pallas_call(
        functools.partial(_tc_body, s),
        grid=grid,
        in_specs=[
            pl.BlockSpec((GB, GR, TW), lambda i: (i, 0, 0)),
            pl.BlockSpec((GB, S, SP), lambda i: (i, 0, 0)),
            pl.BlockSpec((GR, DIM), rep2),
            pl.BlockSpec((S, SP), rep2),
            pl.BlockSpec((DEPTH, DIM, DIM), lambda i: (0, 0, 0)),
            pl.BlockSpec((DEPTH, DIM), rep2),
            pl.BlockSpec((DEPTH, DIM, DIM), lambda i: (0, 0, 0)),
            pl.BlockSpec((DEPTH, DIM), rep2),
            pl.BlockSpec((DIM,), rep1),
            pl.BlockSpec((DIM,), rep1),
        ],
        out_specs=pl.BlockSpec((GB, S, DIM), lambda i: (i, 0, 0)),
        out_shape=jax.ShapeDtypeStruct((batch, S, DIM), jnp.float32),
    )(g, c, pe, cmask, evo_w, evo_b, dec_w, dec_b, ln_g, ln_b)


def kernel(input_ids, emb_table, q_amps, ent_mat, evo_W, evo_b, dec_W, dec_b, ln_g, ln_b):
    batch, s = input_ids.shape
    assert s == S and batch % NW == 0

    ids_pad = jnp.concatenate(
        [input_ids.astype(jnp.int32),
         jnp.zeros((batch, IDP - s), dtype=jnp.int32)], axis=1)
    col_a = jnp.concatenate([emb_table, q_amps[:, :, 0]], axis=1).astype(jnp.bfloat16)
    col_b = jnp.concatenate(
        [q_amps[:, :, 1].astype(jnp.bfloat16),
         jnp.zeros((VOCAB, DIM), jnp.bfloat16)], axis=1)
    tabp = lax.bitcast_convert_type(
        jnp.stack([col_a, col_b], axis=-1), jnp.int32)
    entp = lax.bitcast_convert_type(
        jnp.pad(ent_mat.astype(jnp.bfloat16),
                ((0, 0), (0, VP - VOCAB))).reshape(VOCAB, EW, 2),
        jnp.int32)

    g, c = _sc_gather(ids_pad, tabp, entp, batch)
    c = c.reshape(batch, S, SP)

    pe, cmask = _np_consts(s)
    return _tc_dense(s, batch, g, c, pe, cmask, evo_W, evo_b, dec_W, dec_b,
                     ln_g, ln_b)

# --- scband reference (transcript-rebuilt; emitter-appended) ---
"""Pipeline reference for scband-entangled-embedding-2817498546697 (READ-ONLY COPY).

The authoritative reference and input builder live on the scoring server;
editing this copy changes nothing except your own understanding.
"""

import jax, jax.numpy as jnp
import numpy as np

VOCAB = 1000
DIM = 128
DEPTH = 3
MAXPOS = 512
CORR = 0.8
DECO = 0.1
B, S = 1024, 50


def _pos_encoding(max_len, d):
    position = np.arange(max_len, dtype=np.float32)[:, None]
    div_term = np.exp(np.arange(0, d, 2, dtype=np.float32) * -(np.log(10000.0) / d))
    pe = np.zeros((max_len, d), dtype=np.float32)
    pe[:, 0::2] = np.sin(position * div_term)
    pe[:, 1::2] = np.cos(position * div_term)
    quantum_phase = np.sin(position * np.pi / max_len)
    pe = pe * (1.0 + 0.1 * quantum_phase)
    return jnp.asarray(pe)[None]  # (1, max_len, d)


def setup_inputs(seed: int = 0):
    key = jax.random.key(seed)
    ks = jax.random.split(key, 8)
    input_ids = jax.random.randint(ks[0], (B, S), 0, VOCAB)
    emb_table = jax.random.normal(ks[1], (VOCAB, DIM), dtype=jnp.float32) * 0.05
    q_amps = jax.random.normal(ks[2], (VOCAB, DIM, 2), dtype=jnp.float32) * 0.02
    noise = jax.random.normal(ks[3], (VOCAB, VOCAB), dtype=jnp.float32) * 0.01
    ent_mat = jnp.eye(VOCAB, dtype=jnp.float32) * CORR + (noise + noise.T) / 2.0
    evo_W = jax.random.normal(ks[4], (DEPTH, DIM, DIM), dtype=jnp.float32) * (1.0 / np.sqrt(DIM))
    evo_b = jnp.zeros((DEPTH, DIM), dtype=jnp.float32)
    dec_W = jax.random.normal(ks[5], (DEPTH, DIM, DIM), dtype=jnp.float32) * (1.0 / np.sqrt(DIM))
    dec_b = jnp.zeros((DEPTH, DIM), dtype=jnp.float32)
    ln_g = jnp.ones((DIM,), dtype=jnp.float32)
    ln_b = jnp.zeros((DIM,), dtype=jnp.float32)
    return {"input_ids": input_ids, "emb_table": emb_table, "q_amps": q_amps,
            "ent_mat": ent_mat, "evo_W": evo_W, "evo_b": evo_b,
            "dec_W": dec_W, "dec_b": dec_b, "ln_g": ln_g, "ln_b": ln_b}


def reference(input_ids, emb_table, q_amps, ent_mat, evo_W, evo_b, dec_W, dec_b, ln_g, ln_b):
    b, s = input_ids.shape
    # base embedding lookup (gather)
    base = jnp.take(emb_table, input_ids, axis=0)  # (B,S,D)
    pe = _pos_encoding(MAXPOS, DIM)[:, :s, :]
    x = base + pe
    # superposition states
    qa = jnp.take(q_amps, input_ids, axis=0)  # (B,S,D,2)
    real_part = x + qa[..., 0]
    imag_part = qa[..., 1]
    magnitude = jnp.sqrt(real_part ** 2 + imag_part ** 2 + 1e-08)
    x = x + 0.1 * magnitude * jnp.tanh(real_part)
    # quantum correlations: C(i,j) = E[id_i, id_j] * exp(-lambda*|i-j|)
    tok_corr = jnp.take(ent_mat, input_ids, axis=0)  # (B,S,V)
    idx = jnp.broadcast_to(input_ids[:, None, :], (b, s, s))
    tok_corr = jnp.take_along_axis(tok_corr, idx, axis=2)  # (B,S,S)
    positions = jnp.arange(s)
    dist = jnp.abs(positions[None, :] - positions[:, None]).astype(jnp.float32)
    decay = jnp.exp(-DECO * dist)
    correlations = tok_corr * decay[None]
    # entanglement mixing over off-diagonal pairs (vectorized i,j loop)
    offdiag = correlations * (1.0 - jnp.eye(s, dtype=jnp.float32))[None]
    x = x + 0.1 * jnp.einsum('bij,bjd->bid', offdiag, x)
    # quantum evolution with decoherence gating
    for step in range(DEPTH):
        evolved = x @ evo_W[step].T + evo_b[step]
        gate = jax.nn.sigmoid(x @ dec_W[step].T + dec_b[step])
        x = evolved * gate + x * (1.0 - gate)
    # layer norm (eps=1e-5); dropout is identity in eval mode
    mu = jnp.mean(x, axis=-1, keepdims=True)
    var = jnp.var(x, axis=-1, keepdims=True)
    x = (x - mu) / jnp.sqrt(var + 1e-05) * ln_g + ln_b
    return x

if __name__ == "__main__":
    import jax
    _d = setup_inputs()
    print(jax.jit(kernel)(*tuple(_d.values())))

</pallas_src>

<mosaic_0001>
#map = affine_map<(d0, d1) -> (0, 0)>
#map1 = affine_map<(d0, d1) -> (0, 0, 0)>
module attributes {stable_mosaic.version = 14 : i64} {
  func.func @_sc_body(%arg0: i32, %arg1: i32, %arg2: memref<1024x64xi32, #tpu.memory_space<hbm>>, %arg3: memref<1000x256xi32, #tpu.memory_space<hbm>>, %arg4: memref<1000x512xi32, #tpu.memory_space<hbm>>, %arg5: memref<1024x56x256xi32, #tpu.memory_space<hbm>>, %arg6: memref<1024x2800xf32, #tpu.memory_space<hbm>>, %arg7: memref<32x64xi32, #tpu.memory_space<vmem>>, %arg8: memref<64x256xi32, #tpu.memory_space<vmem>>, %arg9: memref<64x256xi32, #tpu.memory_space<vmem>>, %arg10: memref<64x512xi32, #tpu.memory_space<vmem>>, %arg11: memref<64x512xi32, #tpu.memory_space<vmem>>, %arg12: memref<2800xf32, #tpu.memory_space<vmem>>, %arg13: memref<2800xf32, #tpu.memory_space<vmem>>, %arg14: memref<!tpu.dma_semaphore, #tpu.memory_space<semaphore_mem>>, %arg15: memref<!tpu.dma_semaphore, #tpu.memory_space<semaphore_mem>>, %arg16: memref<!tpu.dma_semaphore, #tpu.memory_space<semaphore_mem>>, %arg17: memref<!tpu.dma_semaphore, #tpu.memory_space<semaphore_mem>>, %arg18: memref<!tpu.dma_semaphore, #tpu.memory_space<semaphore_mem>>, %arg19: memref<!tpu.dma_semaphore, #tpu.memory_space<semaphore_mem>>, %arg20: memref<!tpu.dma_semaphore, #tpu.memory_space<semaphore_mem>>, %arg21: memref<!tpu.dma_semaphore, #tpu.memory_space<semaphore_mem>>) attributes {dimension_semantics = [#tpu.dimension_semantics<core_parallel>, #tpu.dimension_semantics<subcore_parallel>], iteration_bounds = array<i64: 2, 16>, scalar_prefetch = 0 : i64, scratch_operands = 15 : i64, tpu.core_type = #tpu.core_type<sc_vector_subcore>, window_params = [{transform_indices = #map}, {transform_indices = #map}, {transform_indices = #map}, {transform_indices = #map1}, {transform_indices = #map}]} {
    %mul3A = arith.constant 2 : i32
    %mul3A_0 = arith.muli %arg1, %mul3A : i32
    %add3A = arith.addi %mul3A_0, %arg0 : i32
    %mul3A_1 = arith.constant 32 : i32
    %mul3A_2 = arith.muli %add3A, %mul3A_1 : i32
    "tpu.region"() ({
      %run_scoped3A = tpu.sem_alloc : memref<!tpu.dma_semaphore, #tpu.memory_space<semaphore_mem>>
      %dma_start3A_67 = arith.constant 0 : i32
      %dma_start3A_68 = tpu.memref_slice %arg2[%mul3A_2, %dma_start3A_67] : memref<1024x64xi32, #tpu.memory_space<hbm>> -> memref<32x64xi32, #tpu.memory_space<hbm>>
      %dma_start3A_69 = arith.constant 0 : i32
      %dma_start3A_70 = tpu.memref_slice %arg2[%mul3A_2, %dma_start3A_69] : memref<1024x64xi32, #tpu.memory_space<hbm>> -> memref<32x64xi32, #tpu.memory_space<hbm>>
      tpu.enqueue_dma source(%dma_start3A_70 : memref<32x64xi32, #tpu.memory_space<hbm>>) target(%arg7 : memref<32x64xi32, #tpu.memory_space<vmem>>) target_semaphore(%run_scoped3A : memref<!tpu.dma_semaphore, #tpu.memory_space<semaphore_mem>>)
      %dma_wait3A_71 = arith.constant 0 : i32
      %dma_wait3A_72 = tpu.memref_slice %arg2[%mul3A_2, %dma_wait3A_71] : memref<1024x64xi32, #tpu.memory_space<hbm>> -> memref<32x64xi32, #tpu.memory_space<hbm>>
      %dma_wait3A_73 = arith.constant 0 : i32
      %dma_wait3A_74 = tpu.memref_slice %arg2[%mul3A_2, %dma_wait3A_73] : memref<1024x64xi32, #tpu.memory_space<hbm>> -> memref<32x64xi32, #tpu.memory_space<hbm>>
      tpu.wait_dma2 semaphore(%run_scoped3A : memref<!tpu.dma_semaphore, #tpu.memory_space<semaphore_mem>>) src(%dma_wait3A_74 : memref<32x64xi32, #tpu.memory_space<hbm>>) dst(%arg7 : memref<32x64xi32, #tpu.memory_space<vmem>>)
      tpu.yield
    }) : () -> ()
    %dma_start3A = arith.constant 0 : i32
    %dma_start3A_3 = arith.constant 0 : i32
    %dma_start3A_4 = tpu.memref_slice %arg7[%dma_start3A, %dma_start3A_3] : memref<32x64xi32, #tpu.memory_space<vmem>> -> memref<1x64xi32, #tpu.memory_space<vmem>>
    %dma_start3A_5 = tpu.memref_squeeze %dma_start3A_4 : memref<1x64xi32, #tpu.memory_space<vmem>> -> memref<64xi32, #tpu.memory_space<vmem>>
    %dma_start3A_6 = arith.constant 0 : i32
    %dma_start3A_7 = arith.constant 0 : i32
    %dma_start3A_8 = tpu.memref_slice %arg3[%dma_start3A_6, %dma_start3A_7] : memref<1000x256xi32, #tpu.memory_space<hbm>> -> memref<1000x256xi32, #tpu.memory_space<hbm>>
    tpu.enqueue_indirect_dma source(%dma_start3A_8 : memref<1000x256xi32, #tpu.memory_space<hbm>>) target(%arg8 : memref<64x256xi32, #tpu.memory_space<vmem>>) offsets(%dma_start3A_5 : memref<64xi32, #tpu.memory_space<vmem>>) semaphore(%arg14 : memref<!tpu.dma_semaphore, #tpu.memory_space<semaphore_mem>>)
    %dma_start3A_9 = arith.constant 0 : i32
    %dma_start3A_10 = arith.constant 0 : i32
    %dma_start3A_11 = tpu.memref_slice %arg7[%dma_start3A_9, %dma_start3A_10] : memref<32x64xi32, #tpu.memory_space<vmem>> -> memref<1x64xi32, #tpu.memory_space<vmem>>
    %dma_start3A_12 = tpu.memref_squeeze %dma_start3A_11 : memref<1x64xi32, #tpu.memory_space<vmem>> -> memref<64xi32, #tpu.memory_space<vmem>>
    %dma_start3A_13 = arith.constant 0 : i32
    %dma_start3A_14 = arith.constant 0 : i32
    %dma_start3A_15 = tpu.memref_slice %arg4[%dma_start3A_13, %dma_start3A_14] : memref<1000x512xi32, #tpu.memory_space<hbm>> -> memref<1000x512xi32, #tpu.memory_space<hbm>>
    tpu.enqueue_indirect_dma source(%dma_start3A_15 : memref<1000x512xi32, #tpu.memory_space<hbm>>) target(%arg10 : memref<64x512xi32, #tpu.memory_space<vmem>>) offsets(%dma_start3A_12 : memref<64xi32, #tpu.memory_space<vmem>>) semaphore(%arg16 : memref<!tpu.dma_semaphore, #tpu.memory_space<semaphore_mem>>)
    %scan3A = arith.constant 0 : i32
    %scan3A_16 = arith.constant 0 : i32
    %scan3A_17 = arith.constant 16 : i32
    %scan3A_18 = arith.addi %scan3A_16, %scan3A_17 : i32
    %scan3A_19 = arith.constant 1 : i32
    scf.for %scan3A_67 = %scan3A_16 to %scan3A_18 step %scan3A_19  : i32 {
      %mul3A_68 = arith.constant 2 : i32
      %mul3A_69 = arith.muli %scan3A_67, %mul3A_68 : i32
      %add3A_70 = arith.addi %mul3A_2, %mul3A_69 : i32
      %add3A_71 = arith.constant 1 : i32
      %add3A_72 = arith.addi %mul3A_69, %add3A_71 : i32
      %min3A = arith.constant 31 : i32
      %min3A_73 = arith.minsi %add3A_72, %min3A : i32
      %ge3A = arith.constant 1 : i32
      %ge3A_74 = arith.cmpi sge, %mul3A_69, %ge3A : i32
      %convert_element_type3A = arith.extui %ge3A_74 : i1 to i32
      %cond3A = arith.constant 0 : i32
      %cond3A_75 = arith.cmpi ne, %convert_element_type3A, %cond3A : i32
      scf.if %cond3A_75 {
        %sub3A_292 = arith.constant 1 : i32
        %sub3A_293 = arith.subi %add3A_70, %sub3A_292 : i32
        %dma_wait3A_294 = arith.constant 0 : i32
        %dma_wait3A_295 = arith.constant 0 : i32
        %dma_wait3A_296 = tpu.memref_slice %arg5[%sub3A_293, %dma_wait3A_294, %dma_wait3A_295] : memref<1024x56x256xi32, #tpu.memory_space<hbm>> -> memref<1x56x256xi32, #tpu.memory_space<hbm>>
        %dma_wait3A_297 = tpu.memref_squeeze %dma_wait3A_296 : memref<1x56x256xi32, #tpu.memory_space<hbm>> -> memref<56x256xi32, #tpu.memory_space<hbm>>
        %dma_wait3A_298 = arith.constant 0 : i32
        %dma_wait3A_299 = arith.constant 0 : i32
        %dma_wait3A_300 = tpu.memref_slice %arg5[%sub3A_293, %dma_wait3A_298, %dma_wait3A_299] : memref<1024x56x256xi32, #tpu.memory_space<hbm>> -> memref<1x56x256xi32, #tpu.memory_space<hbm>>
        %dma_wait3A_301 = tpu.memref_squeeze %dma_wait3A_300 : memref<1x56x256xi32, #tpu.memory_space<hbm>> -> memref<56x256xi32, #tpu.memory_space<hbm>>
        tpu.wait_dma2 semaphore(%arg19 : memref<!tpu.dma_semaphore, #tpu.memory_space<semaphore_mem>>) src(%arg9 : memref<64x256xi32, #tpu.memory_space<vmem>>) dst(%dma_wait3A_301 : memref<56x256xi32, #tpu.memory_space<hbm>>)
      } else {
      }
      %dma_start3A_76 = arith.constant 0 : i32
      %dma_start3A_77 = tpu.memref_slice %arg7[%min3A_73, %dma_start3A_76] : memref<32x64xi32, #tpu.memory_space<vmem>> -> memref<1x64xi32, #tpu.memory_space<vmem>>
      %dma_start3A_78 = tpu.memref_squeeze %dma_start3A_77 : memref<1x64xi32, #tpu.memory_space<vmem>> -> memref<64xi32, #tpu.memory_space<vmem>>
      %dma_start3A_79 = arith.constant 0 : i32
      %dma_start3A_80 = arith.constant 0 : i32
      %dma_start3A_81 = tpu.memref_slice %arg3[%dma_start3A_79, %dma_start3A_80] : memref<1000x256xi32, #tpu.memory_space<hbm>> -> memref<1000x256xi32, #tpu.memory_space<hbm>>
      tpu.enqueue_indirect_dma source(%dma_start3A_81 : memref<1000x256xi32, #tpu.memory_space<hbm>>) target(%arg9 : memref<64x256xi32, #tpu.memory_space<vmem>>) offsets(%dma_start3A_78 : memref<64xi32, #tpu.memory_space<vmem>>) semaphore(%arg15 : memref<!tpu.dma_semaphore, #tpu.memory_space<semaphore_mem>>)
      %dma_start3A_82 = arith.constant 0 : i32
      %dma_start3A_83 = tpu.memref_slice %arg7[%min3A_73, %dma_start3A_82] : memref<32x64xi32, #tpu.memory_space<vmem>> -> memref<1x64xi32, #tpu.memory_space<vmem>>
      %dma_start3A_84 = tpu.memref_squeeze %dma_start3A_83 : memref<1x64xi32, #tpu.memory_space<vmem>> -> memref<64xi32, #tpu.memory_space<vmem>>
      %dma_start3A_85 = arith.constant 0 : i32
      %dma_start3A_86 = arith.constant 0 : i32
      %dma_start3A_87 = tpu.memref_slice %arg4[%dma_start3A_85, %dma_start3A_86] : memref<1000x512xi32, #tpu.memory_space<hbm>> -> memref<1000x512xi32, #tpu.memory_space<hbm>>
      tpu.enqueue_indirect_dma source(%dma_start3A_87 : memref<1000x512xi32, #tpu.memory_space<hbm>>) target(%arg11 : memref<64x512xi32, #tpu.memory_space<vmem>>) offsets(%dma_start3A_84 : memref<64xi32, #tpu.memory_space<vmem>>) semaphore(%arg17 : memref<!tpu.dma_semaphore, #tpu.memory_space<semaphore_mem>>)
      %ge3A_88 = arith.constant 2 : i32
      %ge3A_89 = arith.cmpi sge, %mul3A_69, %ge3A_88 : i32
      %convert_element_type3A_90 = arith.extui %ge3A_89 : i1 to i32
      %cond3A_91 = arith.constant 0 : i32
      %cond3A_92 = arith.cmpi ne, %convert_element_type3A_90, %cond3A_91 : i32
      scf.if %cond3A_92 {
        %sub3A_292 = arith.constant 2 : i32
        %sub3A_293 = arith.subi %add3A_70, %sub3A_292 : i32
        %dma_wait3A_294 = arith.constant 0 : i32
        %dma_wait3A_295 = tpu.memref_slice %arg6[%sub3A_293, %dma_wait3A_294] : memref<1024x2800xf32, #tpu.memory_space<hbm>> -> memref<1x2800xf32, #tpu.memory_space<hbm>>
        %dma_wait3A_296 = tpu.memref_squeeze %dma_wait3A_295 : memref<1x2800xf32, #tpu.memory_space<hbm>> -> memref<2800xf32, #tpu.memory_space<hbm>>
        %dma_wait3A_297 = arith.constant 0 : i32
        %dma_wait3A_298 = tpu.memref_slice %arg6[%sub3A_293, %dma_wait3A_297] : memref<1024x2800xf32, #tpu.memory_space<hbm>> -> memref<1x2800xf32, #tpu.memory_space<hbm>>
        %dma_wait3A_299 = tpu.memref_squeeze %dma_wait3A_298 : memref<1x2800xf32, #tpu.memory_space<hbm>> -> memref<2800xf32, #tpu.memory_space<hbm>>
        tpu.wait_dma2 semaphore(%arg20 : memref<!tpu.dma_semaphore, #tpu.memory_space<semaphore_mem>>) src(%arg12 : memref<2800xf32, #tpu.memory_space<vmem>>) dst(%dma_wait3A_299 : memref<2800xf32, #tpu.memory_space<hbm>>)
      } else {
      }
      %dma_wait3A_93 = arith.constant 0 : i32
      %dma_wait3A_94 = tpu.memref_slice %arg7[%mul3A_69, %dma_wait3A_93] : memref<32x64xi32, #tpu.memory_space<vmem>> -> memref<1x64xi32, #tpu.memory_space<vmem>>
      %dma_wait3A_95 = tpu.memref_squeeze %dma_wait3A_94 : memref<1x64xi32, #tpu.memory_space<vmem>> -> memref<64xi32, #tpu.memory_space<vmem>>
      %dma_wait3A_96 = arith.constant 0 : i32
      %dma_wait3A_97 = arith.constant 0 : i32
      %dma_wait3A_98 = tpu.memref_slice %arg4[%dma_wait3A_96, %dma_wait3A_97] : memref<1000x512xi32, #tpu.memory_space<hbm>> -> memref<1000x512xi32, #tpu.memory_space<hbm>>
      tpu.wait_indirect_dma semaphore(%arg16 : memref<!tpu.dma_semaphore, #tpu.memory_space<semaphore_mem>>) src(%dma_wait3A_98 : memref<1000x512xi32, #tpu.memory_space<hbm>>) dst(%arg10 : memref<64x512xi32, #tpu.memory_space<vmem>>)
      %get3A = arith.index_cast %mul3A_69 : i32 to index
      %get3A_99 = arith.constant 0 : index
      %get3A_100 = tpu.vector_load %arg7[%get3A, %get3A_99] {strides = array<i32>} : memref<32x64xi32, #tpu.memory_space<vmem>>, vector<16xi32>,
      %get3A_101 = arith.index_cast %mul3A_69 : i32 to index
      %get3A_102 = arith.constant 16 : index
      %get3A_103 = tpu.vector_load %arg7[%get3A_101, %get3A_102] {strides = array<i32>} : memref<32x64xi32, #tpu.memory_space<vmem>>, vector<16xi32>,
      %get3A_104 = arith.index_cast %mul3A_69 : i32 to index
      %get3A_105 = arith.constant 32 : index
      %get3A_106 = tpu.vector_load %arg7[%get3A_104, %get3A_105] {strides = array<i32>} : memref<32x64xi32, #tpu.memory_space<vmem>>, vector<16xi32>,
      %get3A_107 = arith.index_cast %mul3A_69 : i32 to index
      %get3A_108 = arith.constant 40 : index
      %get3A_109 = tpu.vector_load %arg7[%get3A_107, %get3A_108] {strides = array<i32>} : memref<32x64xi32, #tpu.memory_space<vmem>>, vector<16xi32>,
      %shift_right_arithmetic3A = arith.constant 1 : i32
      %shift_right_arithmetic3A_110 = vector.broadcast %shift_right_arithmetic3A : i32 to vector<16xi32>
      %shift_right_arithmetic3A_111 = arith.shrsi %get3A_100, %shift_right_arithmetic3A_110 : vector<16xi32>
      %shift_right_arithmetic3A_112 = arith.constant 1 : i32
      %shift_right_arithmetic3A_113 = vector.broadcast %shift_right_arithmetic3A_112 : i32 to vector<16xi32>
      %shift_right_arithmetic3A_114 = arith.shrsi %get3A_103, %shift_right_arithmetic3A_113 : vector<16xi32>
      %shift_right_arithmetic3A_115 = arith.constant 1 : i32
      %shift_right_arithmetic3A_116 = vector.broadcast %shift_right_arithmetic3A_115 : i32 to vector<16xi32>
      %shift_right_arithmetic3A_117 = arith.shrsi %get3A_106, %shift_right_arithmetic3A_116 : vector<16xi32>
      %shift_right_arithmetic3A_118 = arith.constant 1 : i32
      %shift_right_arithmetic3A_119 = vector.broadcast %shift_right_arithmetic3A_118 : i32 to vector<16xi32>
      %shift_right_arithmetic3A_120 = arith.shrsi %get3A_109, %shift_right_arithmetic3A_119 : vector<16xi32>
      %and3A = arith.constant 1 : i32
      %and3A_121 = vector.broadcast %and3A : i32 to vector<16xi32>
      %and3A_122 = arith.andi %get3A_100, %and3A_121 : vector<16xi32>
      %eq3A = arith.constant 1 : i32
      %eq3A_123 = vector.broadcast %eq3A : i32 to vector<16xi32>
      %eq3A_124 = arith.cmpi eq, %and3A_122, %eq3A_123 : vector<16xi32>
      %and3A_125 = arith.constant 1 : i32
      %and3A_126 = vector.broadcast %and3A_125 : i32 to vector<16xi32>
      %and3A_127 = arith.andi %get3A_103, %and3A_126 : vector<16xi32>
      %eq3A_128 = arith.constant 1 : i32
      %eq3A_129 = vector.broadcast %eq3A_128 : i32 to vector<16xi32>
      %eq3A_130 = arith.cmpi eq, %and3A_127, %eq3A_129 : vector<16xi32>
      %and3A_131 = arith.constant 1 : i32
      %and3A_132 = vector.broadcast %and3A_131 : i32 to vector<16xi32>
      %and3A_133 = arith.andi %get3A_106, %and3A_132 : vector<16xi32>
      %eq3A_134 = arith.constant 1 : i32
      %eq3A_135 = vector.broadcast %eq3A_134 : i32 to vector<16xi32>
      %eq3A_136 = arith.cmpi eq, %and3A_133, %eq3A_135 : vector<16xi32>
      %and3A_137 = arith.constant 1 : i32
      %and3A_138 = vector.broadcast %and3A_137 : i32 to vector<16xi32>
      %and3A_139 = arith.andi %get3A_109, %and3A_138 : vector<16xi32>
      %eq3A_140 = arith.constant 1 : i32
      %eq3A_141 = vector.broadcast %eq3A_140 : i32 to vector<16xi32>
      %eq3A_142 = arith.cmpi eq, %and3A_139, %eq3A_141 : vector<16xi32>
      %scan3A_143 = arith.constant 0 : i32
      %scan3A_144 = arith.constant 0 : i32
      %scan3A_145 = arith.constant 50 : i32
      %scan3A_146 = arith.addi %scan3A_144, %scan3A_145 : i32
      %scan3A_147 = arith.constant 1 : i32
      scf.for %scan3A_292 = %scan3A_144 to %scan3A_146 step %scan3A_147  : i32 {
        %broadcast_in_dim3A = vector.broadcast %scan3A_292 : i32 to vector<16xi32>
        %gather3A = tpu.vector_load_idx %arg10[%broadcast_in_dim3A, %shift_right_arithmetic3A_111] : memref<64x512xi32, #tpu.memory_space<vmem>>[vector<16xi32>, vector<16xi32>], vector<16xi32>,
        %shift_left3A = arith.constant 16 : i32
        %shift_left3A_293 = vector.broadcast %shift_left3A : i32 to vector<16xi32>
        %shift_left3A_294 = arith.shli %gather3A, %shift_left3A_293 : vector<16xi32>
        %and3A_295 = arith.constant -65536 : i32
        %and3A_296 = vector.broadcast %and3A_295 : i32 to vector<16xi32>
        %and3A_297 = arith.andi %gather3A, %and3A_296 : vector<16xi32>
        %select_n3A = arith.select %eq3A_124, %and3A_297, %shift_left3A_294 : vector<16xi1>, vector<16xi32>
        %bitcast3A = vector.bitcast %select_n3A : vector<16xi32> to vector<16xf32>
        %add3A_298 = arith.constant 0 : i32
        %add3A_299 = arith.addi %add3A_298, %scan3A_292 : i32
        %mul3A_300 = arith.constant 56 : i32
        %mul3A_301 = arith.muli %add3A_299, %mul3A_300 : i32
        %add3A_302 = arith.constant 0 : i32
        %add3A_303 = arith.addi %mul3A_301, %add3A_302 : i32
        %swap3A = arith.index_cast %add3A_303 : i32 to index
        %swap3A_304 = tpu.vector_load %arg12[%swap3A] {strides = array<i32>} : memref<2800xf32, #tpu.memory_space<vmem>>, vector<16xf32>,
        tpu.vector_store %arg12[%swap3A], %bitcast3A {strides = array<i32>} : memref<2800xf32, #tpu.memory_space<vmem>>, vector<16xf32>,
        %gather3A_305 = tpu.vector_load_idx %arg10[%broadcast_in_dim3A, %shift_right_arithmetic3A_114] : memref<64x512xi32, #tpu.memory_space<vmem>>[vector<16xi32>, vector<16xi32>], vector<16xi32>,
        %shift_left3A_306 = arith.constant 16 : i32
        %shift_left3A_307 = vector.broadcast %shift_left3A_306 : i32 to vector<16xi32>
        %shift_left3A_308 = arith.shli %gather3A_305, %shift_left3A_307 : vector<16xi32>
        %and3A_309 = arith.constant -65536 : i32
        %and3A_310 = vector.broadcast %and3A_309 : i32 to vector<16xi32>
        %and3A_311 = arith.andi %gather3A_305, %and3A_310 : vector<16xi32>
        %select_n3A_312 = arith.select %eq3A_130, %and3A_311, %shift_left3A_308 : vector<16xi1>, vector<16xi32>
        %bitcast3A_313 = vector.bitcast %select_n3A_312 : vector<16xi32> to vector<16xf32>
        %add3A_314 = arith.constant 0 : i32
        %add3A_315 = arith.addi %add3A_314, %scan3A_292 : i32
        %mul3A_316 = arith.constant 56 : i32
        %mul3A_317 = arith.muli %add3A_315, %mul3A_316 : i32
        %add3A_318 = arith.constant 16 : i32
        %add3A_319 = arith.addi %mul3A_317, %add3A_318 : i32
        %swap3A_320 = arith.index_cast %add3A_319 : i32 to index
        %swap3A_321 = tpu.vector_load %arg12[%swap3A_320] {strides = array<i32>} : memref<2800xf32, #tpu.memory_space<vmem>>, vector<16xf32>,
        tpu.vector_store %arg12[%swap3A_320], %bitcast3A_313 {strides = array<i32>} : memref<2800xf32, #tpu.memory_space<vmem>>, vector<16xf32>,
        %gather3A_322 = tpu.vector_load_idx %arg10[%broadcast_in_dim3A, %shift_right_arithmetic3A_117] : memref<64x512xi32, #tpu.memory_space<vmem>>[vector<16xi32>, vector<16xi32>], vector<16xi32>,
        %shift_left3A_323 = arith.constant 16 : i32
        %shift_left3A_324 = vector.broadcast %shift_left3A_323 : i32 to vector<16xi32>
        %shift_left3A_325 = arith.shli %gather3A_322, %shift_left3A_324 : vector<16xi32>
        %and3A_326 = arith.constant -65536 : i32
        %and3A_327 = vector.broadcast %and3A_326 : i32 to vector<16xi32>
        %and3A_328 = arith.andi %gather3A_322, %and3A_327 : vector<16xi32>
        %select_n3A_329 = arith.select %eq3A_136, %and3A_328, %shift_left3A_325 : vector<16xi1>, vector<16xi32>
        %bitcast3A_330 = vector.bitcast %select_n3A_329 : vector<16xi32> to vector<16xf32>
        %add3A_331 = arith.constant 0 : i32
        %add3A_332 = arith.addi %add3A_331, %scan3A_292 : i32
        %mul3A_333 = arith.constant 56 : i32
        %mul3A_334 = arith.muli %add3A_332, %mul3A_333 : i32
        %add3A_335 = arith.constant 32 : i32
        %add3A_336 = arith.addi %mul3A_334, %add3A_335 : i32
        %swap3A_337 = arith.index_cast %add3A_336 : i32 to index
        %swap3A_338 = tpu.vector_load %arg12[%swap3A_337] {strides = array<i32>} : memref<2800xf32, #tpu.memory_space<vmem>>, vector<16xf32>,
        tpu.vector_store %arg12[%swap3A_337], %bitcast3A_330 {strides = array<i32>} : memref<2800xf32, #tpu.memory_space<vmem>>, vector<16xf32>,
        %gather3A_339 = tpu.vector_load_idx %arg10[%broadcast_in_dim3A, %shift_right_arithmetic3A_120] : memref<64x512xi32, #tpu.memory_space<vmem>>[vector<16xi32>, vector<16xi32>], vector<16xi32>,
        %shift_left3A_340 = arith.constant 16 : i32
        %shift_left3A_341 = vector.broadcast %shift_left3A_340 : i32 to vector<16xi32>
        %shift_left3A_342 = arith.shli %gather3A_339, %shift_left3A_341 : vector<16xi32>
        %and3A_343 = arith.constant -65536 : i32
        %and3A_344 = vector.broadcast %and3A_343 : i32 to vector<16xi32>
        %and3A_345 = arith.andi %gather3A_339, %and3A_344 : vector<16xi32>
        %select_n3A_346 = arith.select %eq3A_142, %and3A_345, %shift_left3A_342 : vector<16xi1>, vector<16xi32>
        %bitcast3A_347 = vector.bitcast %select_n3A_346 : vector<16xi32> to vector<16xf32>
        %add3A_348 = arith.constant 0 : i32
        %add3A_349 = arith.addi %add3A_348, %scan3A_292 : i32
        %mul3A_350 = arith.constant 56 : i32
        %mul3A_351 = arith.muli %add3A_349, %mul3A_350 : i32
        %add3A_352 = arith.constant 40 : i32
        %add3A_353 = arith.addi %mul3A_351, %add3A_352 : i32
        %swap3A_354 = arith.index_cast %add3A_353 : i32 to index
        %swap3A_355 = tpu.vector_load %arg12[%swap3A_354] {strides = array<i32>} : memref<2800xf32, #tpu.memory_space<vmem>>, vector<16xf32>,
        tpu.vector_store %arg12[%swap3A_354], %bitcast3A_347 {strides = array<i32>} : memref<2800xf32, #tpu.memory_space<vmem>>, vector<16xf32>,
      }
      %scan3A_148 = arith.constant 50 : i32
      %dma_start3A_149 = arith.constant 0 : i32
      %dma_start3A_150 = tpu.memref_slice %arg6[%add3A_70, %dma_start3A_149] : memref<1024x2800xf32, #tpu.memory_space<hbm>> -> memref<1x2800xf32, #tpu.memory_space<hbm>>
      %dma_start3A_151 = tpu.memref_squeeze %dma_start3A_150 : memref<1x2800xf32, #tpu.memory_space<hbm>> -> memref<2800xf32, #tpu.memory_space<hbm>>
      %dma_start3A_152 = arith.constant 0 : i32
      %dma_start3A_153 = tpu.memref_slice %arg6[%add3A_70, %dma_start3A_152] : memref<1024x2800xf32, #tpu.memory_space<hbm>> -> memref<1x2800xf32, #tpu.memory_space<hbm>>
      %dma_start3A_154 = tpu.memref_squeeze %dma_start3A_153 : memref<1x2800xf32, #tpu.memory_space<hbm>> -> memref<2800xf32, #tpu.memory_space<hbm>>
      tpu.enqueue_dma source(%arg12 : memref<2800xf32, #tpu.memory_space<vmem>>) target(%dma_start3A_154 : memref<2800xf32, #tpu.memory_space<hbm>>) target_semaphore(%arg20 : memref<!tpu.dma_semaphore, #tpu.memory_space<semaphore_mem>>)
      %dma_wait3A_155 = arith.constant 0 : i32
      %dma_wait3A_156 = tpu.memref_slice %arg7[%mul3A_69, %dma_wait3A_155] : memref<32x64xi32, #tpu.memory_space<vmem>> -> memref<1x64xi32, #tpu.memory_space<vmem>>
      %dma_wait3A_157 = tpu.memref_squeeze %dma_wait3A_156 : memref<1x64xi32, #tpu.memory_space<vmem>> -> memref<64xi32, #tpu.memory_space<vmem>>
      %dma_wait3A_158 = arith.constant 0 : i32
      %dma_wait3A_159 = arith.constant 0 : i32
      %dma_wait3A_160 = tpu.memref_slice %arg3[%dma_wait3A_158, %dma_wait3A_159] : memref<1000x256xi32, #tpu.memory_space<hbm>> -> memref<1000x256xi32, #tpu.memory_space<hbm>>
      tpu.wait_indirect_dma semaphore(%arg14 : memref<!tpu.dma_semaphore, #tpu.memory_space<semaphore_mem>>) src(%dma_wait3A_160 : memref<1000x256xi32, #tpu.memory_space<hbm>>) dst(%arg8 : memref<64x256xi32, #tpu.memory_space<vmem>>)
      %dma_start3A_161 = arith.constant 0 : i32
      %dma_start3A_162 = arith.constant 0 : i32
      %dma_start3A_163 = tpu.memref_slice %arg8[%dma_start3A_161, %dma_start3A_162] : memref<64x256xi32, #tpu.memory_space<vmem>> -> memref<56x256xi32, #tpu.memory_space<vmem>>
      %dma_start3A_164 = arith.constant 0 : i32
      %dma_start3A_165 = arith.constant 0 : i32
      %dma_start3A_166 = tpu.memref_slice %arg5[%add3A_70, %dma_start3A_164, %dma_start3A_165] : memref<1024x56x256xi32, #tpu.memory_space<hbm>> -> memref<1x56x256xi32, #tpu.memory_space<hbm>>
      %dma_start3A_167 = tpu.memref_squeeze %dma_start3A_166 : memref<1x56x256xi32, #tpu.memory_space<hbm>> -> memref<56x256xi32, #tpu.memory_space<hbm>>
      %dma_start3A_168 = arith.constant 0 : i32
      %dma_start3A_169 = arith.constant 0 : i32
      %dma_start3A_170 = tpu.memref_slice %arg5[%add3A_70, %dma_start3A_168, %dma_start3A_169] : memref<1024x56x256xi32, #tpu.memory_space<hbm>> -> memref<1x56x256xi32, #tpu.memory_space<hbm>>
      %dma_start3A_171 = tpu.memref_squeeze %dma_start3A_170 : memref<1x56x256xi32, #tpu.memory_space<hbm>> -> memref<56x256xi32, #tpu.memory_space<hbm>>
      %dma_start3A_172 = arith.constant 0 : i32
      %dma_start3A_173 = arith.constant 0 : i32
      %dma_start3A_174 = tpu.memref_slice %arg8[%dma_start3A_172, %dma_start3A_173] : memref<64x256xi32, #tpu.memory_space<vmem>> -> memref<56x256xi32, #tpu.memory_space<vmem>>
      tpu.enqueue_dma source(%dma_start3A_174 : memref<56x256xi32, #tpu.memory_space<vmem>>) target(%dma_start3A_171 : memref<56x256xi32, #tpu.memory_space<hbm>>) target_semaphore(%arg18 : memref<!tpu.dma_semaphore, #tpu.memory_space<semaphore_mem>>)
      %mul3A_175 = arith.constant 2 : i32
      %mul3A_176 = arith.muli %scan3A_67, %mul3A_175 : i32
      %add3A_177 = arith.constant 1 : i32
      %add3A_178 = arith.addi %mul3A_176, %add3A_177 : i32
      %add3A_179 = arith.addi %mul3A_2, %add3A_178 : i32
      %add3A_180 = arith.constant 1 : i32
      %add3A_181 = arith.addi %add3A_178, %add3A_180 : i32
      %min3A_182 = arith.constant 31 : i32
      %min3A_183 = arith.minsi %add3A_181, %min3A_182 : i32
      %ge3A_184 = arith.constant 1 : i32
      %ge3A_185 = arith.cmpi sge, %add3A_178, %ge3A_184 : i32
      %convert_element_type3A_186 = arith.extui %ge3A_185 : i1 to i32
      %cond3A_187 = arith.constant 0 : i32
      %cond3A_188 = arith.cmpi ne, %convert_element_type3A_186, %cond3A_187 : i32
      scf.if %cond3A_188 {
        %sub3A_292 = arith.constant 1 : i32
        %sub3A_293 = arith.subi %add3A_179, %sub3A_292 : i32
        %dma_wait3A_294 = arith.constant 0 : i32
        %dma_wait3A_295 = arith.constant 0 : i32
        %dma_wait3A_296 = tpu.memref_slice %arg5[%sub3A_293, %dma_wait3A_294, %dma_wait3A_295] : memref<1024x56x256xi32, #tpu.memory_space<hbm>> -> memref<1x56x256xi32, #tpu.memory_space<hbm>>
        %dma_wait3A_297 = tpu.memref_squeeze %dma_wait3A_296 : memref<1x56x256xi32, #tpu.memory_space<hbm>> -> memref<56x256xi32, #tpu.memory_space<hbm>>
        %dma_wait3A_298 = arith.constant 0 : i32
        %dma_wait3A_299 = arith.constant 0 : i32
        %dma_wait3A_300 = tpu.memref_slice %arg5[%sub3A_293, %dma_wait3A_298, %dma_wait3A_299] : memref<1024x56x256xi32, #tpu.memory_space<hbm>> -> memref<1x56x256xi32, #tpu.memory_space<hbm>>
        %dma_wait3A_301 = tpu.memref_squeeze %dma_wait3A_300 : memref<1x56x256xi32, #tpu.memory_space<hbm>> -> memref<56x256xi32, #tpu.memory_space<hbm>>
        tpu.wait_dma2 semaphore(%arg18 : memref<!tpu.dma_semaphore, #tpu.memory_space<semaphore_mem>>) src(%arg8 : memref<64x256xi32, #tpu.memory_space<vmem>>) dst(%dma_wait3A_301 : memref<56x256xi32, #tpu.memory_space<hbm>>)
      } else {
      }
      %dma_start3A_189 = arith.constant 0 : i32
      %dma_start3A_190 = tpu.memref_slice %arg7[%min3A_183, %dma_start3A_189] : memref<32x64xi32, #tpu.memory_space<vmem>> -> memref<1x64xi32, #tpu.memory_space<vmem>>
      %dma_start3A_191 = tpu.memref_squeeze %dma_start3A_190 : memref<1x64xi32, #tpu.memory_space<vmem>> -> memref<64xi32, #tpu.memory_space<vmem>>
      %dma_start3A_192 = arith.constant 0 : i32
      %dma_start3A_193 = arith.constant 0 : i32
      %dma_start3A_194 = tpu.memref_slice %arg3[%dma_start3A_192, %dma_start3A_193] : memref<1000x256xi32, #tpu.memory_space<hbm>> -> memref<1000x256xi32, #tpu.memory_space<hbm>>
      tpu.enqueue_indirect_dma source(%dma_start3A_194 : memref<1000x256xi32, #tpu.memory_space<hbm>>) target(%arg8 : memref<64x256xi32, #tpu.memory_space<vmem>>) offsets(%dma_start3A_191 : memref<64xi32, #tpu.memory_space<vmem>>) semaphore(%arg14 : memref<!tpu.dma_semaphore, #tpu.memory_space<semaphore_mem>>)
      %dma_start3A_195 = arith.constant 0 : i32
      %dma_start3A_196 = tpu.memref_slice %arg7[%min3A_183, %dma_start3A_195] : memref<32x64xi32, #tpu.memory_space<vmem>> -> memref<1x64xi32, #tpu.memory_space<vmem>>
      %dma_start3A_197 = tpu.memref_squeeze %dma_start3A_196 : memref<1x64xi32, #tpu.memory_space<vmem>> -> memref<64xi32, #tpu.memory_space<vmem>>
      %dma_start3A_198 = arith.constant 0 : i32
      %dma_start3A_199 = arith.constant 0 : i32
      %dma_start3A_200 = tpu.memref_slice %arg4[%dma_start3A_198, %dma_start3A_199] : memref<1000x512xi32, #tpu.memory_space<hbm>> -> memref<1000x512xi32, #tpu.memory_space<hbm>>
      tpu.enqueue_indirect_dma source(%dma_start3A_200 : memref<1000x512xi32, #tpu.memory_space<hbm>>) target(%arg10 : memref<64x512xi32, #tpu.memory_space<vmem>>) offsets(%dma_start3A_197 : memref<64xi32, #tpu.memory_space<vmem>>) semaphore(%arg16 : memref<!tpu.dma_semaphore, #tpu.memory_space<semaphore_mem>>)
      %ge3A_201 = arith.constant 2 : i32
      %ge3A_202 = arith.cmpi sge, %add3A_178, %ge3A_201 : i32
      %convert_element_type3A_203 = arith.extui %ge3A_202 : i1 to i32
      %cond3A_204 = arith.constant 0 : i32
      %cond3A_205 = arith.cmpi ne, %convert_element_type3A_203, %cond3A_204 : i32
      scf.if %cond3A_205 {
        %sub3A_292 = arith.constant 2 : i32
        %sub3A_293 = arith.subi %add3A_179, %sub3A_292 : i32
        %dma_wait3A_294 = arith.constant 0 : i32
        %dma_wait3A_295 = tpu.memref_slice %arg6[%sub3A_293, %dma_wait3A_294] : memref<1024x2800xf32, #tpu.memory_space<hbm>> -> memref<1x2800xf32, #tpu.memory_space<hbm>>
        %dma_wait3A_296 = tpu.memref_squeeze %dma_wait3A_295 : memref<1x2800xf32, #tpu.memory_space<hbm>> -> memref<2800xf32, #tpu.memory_space<hbm>>
        %dma_wait3A_297 = arith.constant 0 : i32
        %dma_wait3A_298 = tpu.memref_slice %arg6[%sub3A_293, %dma_wait3A_297] : memref<1024x2800xf32, #tpu.memory_space<hbm>> -> memref<1x2800xf32, #tpu.memory_space<hbm>>
        %dma_wait3A_299 = tpu.memref_squeeze %dma_wait3A_298 : memref<1x2800xf32, #tpu.memory_space<hbm>> -> memref<2800xf32, #tpu.memory_space<hbm>>
        tpu.wait_dma2 semaphore(%arg21 : memref<!tpu.dma_semaphore, #tpu.memory_space<semaphore_mem>>) src(%arg13 : memref<2800xf32, #tpu.memory_space<vmem>>) dst(%dma_wait3A_299 : memref<2800xf32, #tpu.memory_space<hbm>>)
      } else {
      }
      %dma_wait3A_206 = arith.constant 0 : i32
      %dma_wait3A_207 = tpu.memref_slice %arg7[%add3A_178, %dma_wait3A_206] : memref<32x64xi32, #tpu.memory_space<vmem>> -> memref<1x64xi32, #tpu.memory_space<vmem>>
      %dma_wait3A_208 = tpu.memref_squeeze %dma_wait3A_207 : memref<1x64xi32, #tpu.memory_space<vmem>> -> memref<64xi32, #tpu.memory_space<vmem>>
      %dma_wait3A_209 = arith.constant 0 : i32
      %dma_wait3A_210 = arith.constant 0 : i32
      %dma_wait3A_211 = tpu.memref_slice %arg4[%dma_wait3A_209, %dma_wait3A_210] : memref<1000x512xi32, #tpu.memory_space<hbm>> -> memref<1000x512xi32, #tpu.memory_space<hbm>>
      tpu.wait_indirect_dma semaphore(%arg17 : memref<!tpu.dma_semaphore, #tpu.memory_space<semaphore_mem>>) src(%dma_wait3A_211 : memref<1000x512xi32, #tpu.memory_space<hbm>>) dst(%arg11 : memref<64x512xi32, #tpu.memory_space<vmem>>)
      %get3A_212 = arith.index_cast %add3A_178 : i32 to index
      %get3A_213 = arith.constant 0 : index
      %get3A_214 = tpu.vector_load %arg7[%get3A_212, %get3A_213] {strides = array<i32>} : memref<32x64xi32, #tpu.memory_space<vmem>>, vector<16xi32>,
      %get3A_215 = arith.index_cast %add3A_178 : i32 to index
      %get3A_216 = arith.constant 16 : index
      %get3A_217 = tpu.vector_load %arg7[%get3A_215, %get3A_216] {strides = array<i32>} : memref<32x64xi32, #tpu.memory_space<vmem>>, vector<16xi32>,
      %get3A_218 = arith.index_cast %add3A_178 : i32 to index
      %get3A_219 = arith.constant 32 : index
      %get3A_220 = tpu.vector_load %arg7[%get3A_218, %get3A_219] {strides = array<i32>} : memref<32x64xi32, #tpu.memory_space<vmem>>, vector<16xi32>,
      %get3A_221 = arith.index_cast %add3A_178 : i32 to index
      %get3A_222 = arith.constant 40 : index
      %get3A_223 = tpu.vector_load %arg7[%get3A_221, %get3A_222] {strides = array<i32>} : memref<32x64xi32, #tpu.memory_space<vmem>>, vector<16xi32>,
      %shift_right_arithmetic3A_224 = arith.constant 1 : i32
      %shift_right_arithmetic3A_225 = vector.broadcast %shift_right_arithmetic3A_224 : i32 to vector<16xi32>
      %shift_right_arithmetic3A_226 = arith.shrsi %get3A_214, %shift_right_arithmetic3A_225 : vector<16xi32>
      %shift_right_arithmetic3A_227 = arith.constant 1 : i32
      %shift_right_arithmetic3A_228 = vector.broadcast %shift_right_arithmetic3A_227 : i32 to vector<16xi32>
      %shift_right_arithmetic3A_229 = arith.shrsi %get3A_217, %shift_right_arithmetic3A_228 : vector<16xi32>
      %shift_right_arithmetic3A_230 = arith.constant 1 : i32
      %shift_right_arithmetic3A_231 = vector.broadcast %shift_right_arithmetic3A_230 : i32 to vector<16xi32>
      %shift_right_arithmetic3A_232 = arith.shrsi %get3A_220, %shift_right_arithmetic3A_231 : vector<16xi32>
      %shift_right_arithmetic3A_233 = arith.constant 1 : i32
      %shift_right_arithmetic3A_234 = vector.broadcast %shift_right_arithmetic3A_233 : i32 to vector<16xi32>
      %shift_right_arithmetic3A_235 = arith.shrsi %get3A_223, %shift_right_arithmetic3A_234 : vector<16xi32>
      %and3A_236 = arith.constant 1 : i32
      %and3A_237 = vector.broadcast %and3A_236 : i32 to vector<16xi32>
      %and3A_238 = arith.andi %get3A_214, %and3A_237 : vector<16xi32>
      %eq3A_239 = arith.constant 1 : i32
      %eq3A_240 = vector.broadcast %eq3A_239 : i32 to vector<16xi32>
      %eq3A_241 = arith.cmpi eq, %and3A_238, %eq3A_240 : vector<16xi32>
      %and3A_242 = arith.constant 1 : i32
      %and3A_243 = vector.broadcast %and3A_242 : i32 to vector<16xi32>
      %and3A_244 = arith.andi %get3A_217, %and3A_243 : vector<16xi32>
      %eq3A_245 = arith.constant 1 : i32
      %eq3A_246 = vector.broadcast %eq3A_245 : i32 to vector<16xi32>
      %eq3A_247 = arith.cmpi eq, %and3A_244, %eq3A_246 : vector<16xi32>
      %and3A_248 = arith.constant 1 : i32
      %and3A_249 = vector.broadcast %and3A_248 : i32 to vector<16xi32>
      %and3A_250 = arith.andi %get3A_220, %and3A_249 : vector<16xi32>
      %eq3A_251 = arith.constant 1 : i32
      %eq3A_252 = vector.broadcast %eq3A_251 : i32 to vector<16xi32>
      %eq3A_253 = arith.cmpi eq, %and3A_250, %eq3A_252 : vector<16xi32>
      %and3A_254 = arith.constant 1 : i32
      %and3A_255 = vector.broadcast %and3A_254 : i32 to vector<16xi32>
      %and3A_256 = arith.andi %get3A_223, %and3A_255 : vector<16xi32>
      %eq3A_257 = arith.constant 1 : i32
      %eq3A_258 = vector.broadcast %eq3A_257 : i32 to vector<16xi32>
      %eq3A_259 = arith.cmpi eq, %and3A_256, %eq3A_258 : vector<16xi32>
      %scan3A_260 = arith.constant 0 : i32
      %scan3A_261 = arith.constant 0 : i32
      %scan3A_262 = arith.constant 50 : i32
      %scan3A_263 = arith.addi %scan3A_261, %scan3A_262 : i32
      %scan3A_264 = arith.constant 1 : i32
      scf.for %scan3A_292 = %scan3A_261 to %scan3A_263 step %scan3A_264  : i32 {
        %broadcast_in_dim3A = vector.broadcast %scan3A_292 : i32 to vector<16xi32>
        %gather3A = tpu.vector_load_idx %arg11[%broadcast_in_dim3A, %shift_right_arithmetic3A_226] : memref<64x512xi32, #tpu.memory_space<vmem>>[vector<16xi32>, vector<16xi32>], vector<16xi32>,
        %shift_left3A = arith.constant 16 : i32
        %shift_left3A_293 = vector.broadcast %shift_left3A : i32 to vector<16xi32>
        %shift_left3A_294 = arith.shli %gather3A, %shift_left3A_293 : vector<16xi32>
        %and3A_295 = arith.constant -65536 : i32
        %and3A_296 = vector.broadcast %and3A_295 : i32 to vector<16xi32>
        %and3A_297 = arith.andi %gather3A, %and3A_296 : vector<16xi32>
        %select_n3A = arith.select %eq3A_241, %and3A_297, %shift_left3A_294 : vector<16xi1>, vector<16xi32>
        %bitcast3A = vector.bitcast %select_n3A : vector<16xi32> to vector<16xf32>
        %add3A_298 = arith.constant 0 : i32
        %add3A_299 = arith.addi %add3A_298, %scan3A_292 : i32
        %mul3A_300 = arith.constant 56 : i32
        %mul3A_301 = arith.muli %add3A_299, %mul3A_300 : i32
        %add3A_302 = arith.constant 0 : i32
        %add3A_303 = arith.addi %mul3A_301, %add3A_302 : i32
        %swap3A = arith.index_cast %add3A_303 : i32 to index
        %swap3A_304 = tpu.vector_load %arg13[%swap3A] {strides = array<i32>} : memref<2800xf32, #tpu.memory_space<vmem>>, vector<16xf32>,
        tpu.vector_store %arg13[%swap3A], %bitcast3A {strides = array<i32>} : memref<2800xf32, #tpu.memory_space<vmem>>, vector<16xf32>,
        %gather3A_305 = tpu.vector_load_idx %arg11[%broadcast_in_dim3A, %shift_right_arithmetic3A_229] : memref<64x512xi32, #tpu.memory_space<vmem>>[vector<16xi32>, vector<16xi32>], vector<16xi32>,
        %shift_left3A_306 = arith.constant 16 : i32
        %shift_left3A_307 = vector.broadcast %shift_left3A_306 : i32 to vector<16xi32>
        %shift_left3A_308 = arith.shli %gather3A_305, %shift_left3A_307 : vector<16xi32>
        %and3A_309 = arith.constant -65536 : i32
        %and3A_310 = vector.broadcast %and3A_309 : i32 to vector<16xi32>
        %and3A_311 = arith.andi %gather3A_305, %and3A_310 : vector<16xi32>
        %select_n3A_312 = arith.select %eq3A_247, %and3A_311, %shift_left3A_308 : vector<16xi1>, vector<16xi32>
        %bitcast3A_313 = vector.bitcast %select_n3A_312 : vector<16xi32> to vector<16xf32>
        %add3A_314 = arith.constant 0 : i32
        %add3A_315 = arith.addi %add3A_314, %scan3A_292 : i32
        %mul3A_316 = arith.constant 56 : i32
        %mul3A_317 = arith.muli %add3A_315, %mul3A_316 : i32
        %add3A_318 = arith.constant 16 : i32
        %add3A_319 = arith.addi %mul3A_317, %add3A_318 : i32
        %swap3A_320 = arith.index_cast %add3A_319 : i32 to index
        %swap3A_321 = tpu.vector_load %arg13[%swap3A_320] {strides = array<i32>} : memref<2800xf32, #tpu.memory_space<vmem>>, vector<16xf32>,
        tpu.vector_store %arg13[%swap3A_320], %bitcast3A_313 {strides = array<i32>} : memref<2800xf32, #tpu.memory_space<vmem>>, vector<16xf32>,
        %gather3A_322 = tpu.vector_load_idx %arg11[%broadcast_in_dim3A, %shift_right_arithmetic3A_232] : memref<64x512xi32, #tpu.memory_space<vmem>>[vector<16xi32>, vector<16xi32>], vector<16xi32>,
        %shift_left3A_323 = arith.constant 16 : i32
        %shift_left3A_324 = vector.broadcast %shift_left3A_323 : i32 to vector<16xi32>
        %shift_left3A_325 = arith.shli %gather3A_322, %shift_left3A_324 : vector<16xi32>
        %and3A_326 = arith.constant -65536 : i32
        %and3A_327 = vector.broadcast %and3A_326 : i32 to vector<16xi32>
        %and3A_328 = arith.andi %gather3A_322, %and3A_327 : vector<16xi32>
        %select_n3A_329 = arith.select %eq3A_253, %and3A_328, %shift_left3A_325 : vector<16xi1>, vector<16xi32>
        %bitcast3A_330 = vector.bitcast %select_n3A_329 : vector<16xi32> to vector<16xf32>
        %add3A_331 = arith.constant 0 : i32
        %add3A_332 = arith.addi %add3A_331, %scan3A_292 : i32
        %mul3A_333 = arith.constant 56 : i32
        %mul3A_334 = arith.muli %add3A_332, %mul3A_333 : i32
        %add3A_335 = arith.constant 32 : i32
        %add3A_336 = arith.addi %mul3A_334, %add3A_335 : i32
        %swap3A_337 = arith.index_cast %add3A_336 : i32 to index
        %swap3A_338 = tpu.vector_load %arg13[%swap3A_337] {strides = array<i32>} : memref<2800xf32, #tpu.memory_space<vmem>>, vector<16xf32>,
        tpu.vector_store %arg13[%swap3A_337], %bitcast3A_330 {strides = array<i32>} : memref<2800xf32, #tpu.memory_space<vmem>>, vector<16xf32>,
        %gather3A_339 = tpu.vector_load_idx %arg11[%broadcast_in_dim3A, %shift_right_arithmetic3A_235] : memref<64x512xi32, #tpu.memory_space<vmem>>[vector<16xi32>, vector<16xi32>], vector<16xi32>,
        %shift_left3A_340 = arith.constant 16 : i32
        %shift_left3A_341 = vector.broadcast %shift_left3A_340 : i32 to vector<16xi32>
        %shift_left3A_342 = arith.shli %gather3A_339, %shift_left3A_341 : vector<16xi32>
        %and3A_343 = arith.constant -65536 : i32
        %and3A_344 = vector.broadcast %and3A_343 : i32 to vector<16xi32>
        %and3A_345 = arith.andi %gather3A_339, %and3A_344 : vector<16xi32>
        %select_n3A_346 = arith.select %eq3A_259, %and3A_345, %shift_left3A_342 : vector<16xi1>, vector<16xi32>
        %bitcast3A_347 = vector.bitcast %select_n3A_346 : vector<16xi32> to vector<16xf32>
        %add3A_348 = arith.constant 0 : i32
        %add3A_349 = arith.addi %add3A_348, %scan3A_292 : i32
        %mul3A_350 = arith.constant 56 : i32
        %mul3A_351 = arith.muli %add3A_349, %mul3A_350 : i32
        %add3A_352 = arith.constant 40 : i32
        %add3A_353 = arith.addi %mul3A_351, %add3A_352 : i32
        %swap3A_354 = arith.index_cast %add3A_353 : i32 to index
        %swap3A_355 = tpu.vector_load %arg13[%swap3A_354] {strides = array<i32>} : memref<2800xf32, #tpu.memory_space<vmem>>, vector<16xf32>,
        tpu.vector_store %arg13[%swap3A_354], %bitcast3A_347 {strides = array<i32>} : memref<2800xf32, #tpu.memory_space<vmem>>, vector<16xf32>,
      }
      %scan3A_265 = arith.constant 50 : i32
      %dma_start3A_266 = arith.constant 0 : i32
      %dma_start3A_267 = tpu.memref_slice %arg6[%add3A_179, %dma_start3A_266] : memref<1024x2800xf32, #tpu.memory_space<hbm>> -> memref<1x2800xf32, #tpu.memory_space<hbm>>
      %dma_start3A_268 = tpu.memref_squeeze %dma_start3A_267 : memref<1x2800xf32, #tpu.memory_space<hbm>> -> memref<2800xf32, #tpu.memory_space<hbm>>
      %dma_start3A_269 = arith.constant 0 : i32
      %dma_start3A_270 = tpu.memref_slice %arg6[%add3A_179, %dma_start3A_269] : memref<1024x2800xf32, #tpu.memory_space<hbm>> -> memref<1x2800xf32, #tpu.memory_space<hbm>>
      %dma_start3A_271 = tpu.memref_squeeze %dma_start3A_270 : memref<1x2800xf32, #tpu.memory_space<hbm>> -> memref<2800xf32, #tpu.memory_space<hbm>>
      tpu.enqueue_dma source(%arg13 : memref<2800xf32, #tpu.memory_space<vmem>>) target(%dma_start3A_271 : memref<2800xf32, #tpu.memory_space<hbm>>) target_semaphore(%arg21 : memref<!tpu.dma_semaphore, #tpu.memory_space<semaphore_mem>>)
      %dma_wait3A_272 = arith.constant 0 : i32
      %dma_wait3A_273 = tpu.memref_slice %arg7[%add3A_178, %dma_wait3A_272] : memref<32x64xi32, #tpu.memory_space<vmem>> -> memref<1x64xi32, #tpu.memory_space<vmem>>
      %dma_wait3A_274 = tpu.memref_squeeze %dma_wait3A_273 : memref<1x64xi32, #tpu.memory_space<vmem>> -> memref<64xi32, #tpu.memory_space<vmem>>
      %dma_wait3A_275 = arith.constant 0 : i32
      %dma_wait3A_276 = arith.constant 0 : i32
      %dma_wait3A_277 = tpu.memref_slice %arg3[%dma_wait3A_275, %dma_wait3A_276] : memref<1000x256xi32, #tpu.memory_space<hbm>> -> memref<1000x256xi32, #tpu.memory_space<hbm>>
      tpu.wait_indirect_dma semaphore(%arg15 : memref<!tpu.dma_semaphore, #tpu.memory_space<semaphore_mem>>) src(%dma_wait3A_277 : memref<1000x256xi32, #tpu.memory_space<hbm>>) dst(%arg9 : memref<64x256xi32, #tpu.memory_space<vmem>>)
      %dma_start3A_278 = arith.constant 0 : i32
      %dma_start3A_279 = arith.constant 0 : i32
      %dma_start3A_280 = tpu.memref_slice %arg9[%dma_start3A_278, %dma_start3A_279] : memref<64x256xi32, #tpu.memory_space<vmem>> -> memref<56x256xi32, #tpu.memory_space<vmem>>
      %dma_start3A_281 = arith.constant 0 : i32
      %dma_start3A_282 = arith.constant 0 : i32
      %dma_start3A_283 = tpu.memref_slice %arg5[%add3A_179, %dma_start3A_281, %dma_start3A_282] : memref<1024x56x256xi32, #tpu.memory_space<hbm>> -> memref<1x56x256xi32, #tpu.memory_space<hbm>>
      %dma_start3A_284 = tpu.memref_squeeze %dma_start3A_283 : memref<1x56x256xi32, #tpu.memory_space<hbm>> -> memref<56x256xi32, #tpu.memory_space<hbm>>
      %dma_start3A_285 = arith.constant 0 : i32
      %dma_start3A_286 = arith.constant 0 : i32
      %dma_start3A_287 = tpu.memref_slice %arg5[%add3A_179, %dma_start3A_285, %dma_start3A_286] : memref<1024x56x256xi32, #tpu.memory_space<hbm>> -> memref<1x56x256xi32, #tpu.memory_space<hbm>>
      %dma_start3A_288 = tpu.memref_squeeze %dma_start3A_287 : memref<1x56x256xi32, #tpu.memory_space<hbm>> -> memref<56x256xi32, #tpu.memory_space<hbm>>
      %dma_start3A_289 = arith.constant 0 : i32
      %dma_start3A_290 = arith.constant 0 : i32
      %dma_start3A_291 = tpu.memref_slice %arg9[%dma_start3A_289, %dma_start3A_290] : memref<64x256xi32, #tpu.memory_space<vmem>> -> memref<56x256xi32, #tpu.memory_space<vmem>>
      tpu.enqueue_dma source(%dma_start3A_291 : memref<56x256xi32, #tpu.memory_space<vmem>>) target(%dma_start3A_288 : memref<56x256xi32, #tpu.memory_space<hbm>>) target_semaphore(%arg19 : memref<!tpu.dma_semaphore, #tpu.memory_space<semaphore_mem>>)
    }
    %scan3A_20 = arith.constant 16 : i32
    %dma_wait3A = arith.constant 31 : i32
    %dma_wait3A_21 = arith.constant 0 : i32
    %dma_wait3A_22 = tpu.memref_slice %arg7[%dma_wait3A, %dma_wait3A_21] : memref<32x64xi32, #tpu.memory_space<vmem>> -> memref<1x64xi32, #tpu.memory_space<vmem>>
    %dma_wait3A_23 = tpu.memref_squeeze %dma_wait3A_22 : memref<1x64xi32, #tpu.memory_space<vmem>> -> memref<64xi32, #tpu.memory_space<vmem>>
    %dma_wait3A_24 = arith.constant 0 : i32
    %dma_wait3A_25 = arith.constant 0 : i32
    %dma_wait3A_26 = tpu.memref_slice %arg3[%dma_wait3A_24, %dma_wait3A_25] : memref<1000x256xi32, #tpu.memory_space<hbm>> -> memref<1000x256xi32, #tpu.memory_space<hbm>>
    tpu.wait_indirect_dma semaphore(%arg14 : memref<!tpu.dma_semaphore, #tpu.memory_space<semaphore_mem>>) src(%dma_wait3A_26 : memref<1000x256xi32, #tpu.memory_space<hbm>>) dst(%arg8 : memref<64x256xi32, #tpu.memory_space<vmem>>)
    %dma_wait3A_27 = arith.constant 31 : i32
    %dma_wait3A_28 = arith.constant 0 : i32
    %dma_wait3A_29 = tpu.memref_slice %arg7[%dma_wait3A_27, %dma_wait3A_28] : memref<32x64xi32, #tpu.memory_space<vmem>> -> memref<1x64xi32, #tpu.memory_space<vmem>>
    %dma_wait3A_30 = tpu.memref_squeeze %dma_wait3A_29 : memref<1x64xi32, #tpu.memory_space<vmem>> -> memref<64xi32, #tpu.memory_space<vmem>>
    %dma_wait3A_31 = arith.constant 0 : i32
    %dma_wait3A_32 = arith.constant 0 : i32
    %dma_wait3A_33 = tpu.memref_slice %arg4[%dma_wait3A_31, %dma_wait3A_32] : memref<1000x512xi32, #tpu.memory_space<hbm>> -> memref<1000x512xi32, #tpu.memory_space<hbm>>
    tpu.wait_indirect_dma semaphore(%arg16 : memref<!tpu.dma_semaphore, #tpu.memory_space<semaphore_mem>>) src(%dma_wait3A_33 : memref<1000x512xi32, #tpu.memory_space<hbm>>) dst(%arg10 : memref<64x512xi32, #tpu.memory_space<vmem>>)
    %add3A_34 = arith.constant 31 : i32
    %add3A_35 = arith.addi %mul3A_2, %add3A_34 : i32
    %dma_wait3A_36 = arith.constant 0 : i32
    %dma_wait3A_37 = arith.constant 0 : i32
    %dma_wait3A_38 = tpu.memref_slice %arg9[%dma_wait3A_36, %dma_wait3A_37] : memref<64x256xi32, #tpu.memory_space<vmem>> -> memref<56x256xi32, #tpu.memory_space<vmem>>
    %dma_wait3A_39 = arith.constant 0 : i32
    %dma_wait3A_40 = arith.constant 0 : i32
    %dma_wait3A_41 = tpu.memref_slice %arg5[%add3A_35, %dma_wait3A_39, %dma_wait3A_40] : memref<1024x56x256xi32, #tpu.memory_space<hbm>> -> memref<1x56x256xi32, #tpu.memory_space<hbm>>
    %dma_wait3A_42 = tpu.memref_squeeze %dma_wait3A_41 : memref<1x56x256xi32, #tpu.memory_space<hbm>> -> memref<56x256xi32, #tpu.memory_space<hbm>>
    %dma_wait3A_43 = arith.constant 0 : i32
    %dma_wait3A_44 = arith.constant 0 : i32
    %dma_wait3A_45 = tpu.memref_slice %arg5[%add3A_35, %dma_wait3A_43, %dma_wait3A_44] : memref<1024x56x256xi32, #tpu.memory_space<hbm>> -> memref<1x56x256xi32, #tpu.memory_space<hbm>>
    %dma_wait3A_46 = tpu.memref_squeeze %dma_wait3A_45 : memref<1x56x256xi32, #tpu.memory_space<hbm>> -> memref<56x256xi32, #tpu.memory_space<hbm>>
    %dma_wait3A_47 = arith.constant 0 : i32
    %dma_wait3A_48 = arith.constant 0 : i32
    %dma_wait3A_49 = tpu.memref_slice %arg9[%dma_wait3A_47, %dma_wait3A_48] : memref<64x256xi32, #tpu.memory_space<vmem>> -> memref<56x256xi32, #tpu.memory_space<vmem>>
    tpu.wait_dma2 semaphore(%arg19 : memref<!tpu.dma_semaphore, #tpu.memory_space<semaphore_mem>>) src(%dma_wait3A_49 : memref<56x256xi32, #tpu.memory_space<vmem>>) dst(%dma_wait3A_46 : memref<56x256xi32, #tpu.memory_space<hbm>>)
    %add3A_50 = arith.constant 31 : i32
    %add3A_51 = arith.addi %mul3A_2, %add3A_50 : i32
    %sub3A = arith.constant 1 : i32
    %sub3A_52 = arith.subi %add3A_51, %sub3A : i32
    %dma_wait3A_53 = arith.constant 0 : i32
    %dma_wait3A_54 = tpu.memref_slice %arg6[%sub3A_52, %dma_wait3A_53] : memref<1024x2800xf32, #tpu.memory_space<hbm>> -> memref<1x2800xf32, #tpu.memory_space<hbm>>
    %dma_wait3A_55 = tpu.memref_squeeze %dma_wait3A_54 : memref<1x2800xf32, #tpu.memory_space<hbm>> -> memref<2800xf32, #tpu.memory_space<hbm>>
    %dma_wait3A_56 = arith.constant 0 : i32
    %dma_wait3A_57 = tpu.memref_slice %arg6[%sub3A_52, %dma_wait3A_56] : memref<1024x2800xf32, #tpu.memory_space<hbm>> -> memref<1x2800xf32, #tpu.memory_space<hbm>>
    %dma_wait3A_58 = tpu.memref_squeeze %dma_wait3A_57 : memref<1x2800xf32, #tpu.memory_space<hbm>> -> memref<2800xf32, #tpu.memory_space<hbm>>
    tpu.wait_dma2 semaphore(%arg20 : memref<!tpu.dma_semaphore, #tpu.memory_space<semaphore_mem>>) src(%arg12 : memref<2800xf32, #tpu.memory_space<vmem>>) dst(%dma_wait3A_58 : memref<2800xf32, #tpu.memory_space<hbm>>)
    %add3A_59 = arith.constant 31 : i32
    %add3A_60 = arith.addi %mul3A_2, %add3A_59 : i32
    %dma_wait3A_61 = arith.constant 0 : i32
    %dma_wait3A_62 = tpu.memref_slice %arg6[%add3A_60, %dma_wait3A_61] : memref<1024x2800xf32, #tpu.memory_space<hbm>> -> memref<1x2800xf32, #tpu.memory_space<hbm>>
    %dma_wait3A_63 = tpu.memref_squeeze %dma_wait3A_62 : memref<1x2800xf32, #tpu.memory_space<hbm>> -> memref<2800xf32, #tpu.memory_space<hbm>>
    %dma_wait3A_64 = arith.constant 0 : i32
    %dma_wait3A_65 = tpu.memref_slice %arg6[%add3A_60, %dma_wait3A_64] : memref<1024x2800xf32, #tpu.memory_space<hbm>> -> memref<1x2800xf32, #tpu.memory_space<hbm>>
    %dma_wait3A_66 = tpu.memref_squeeze %dma_wait3A_65 : memref<1x2800xf32, #tpu.memory_space<hbm>> -> memref<2800xf32, #tpu.memory_space<hbm>>
    tpu.wait_dma2 semaphore(%arg21 : memref<!tpu.dma_semaphore, #tpu.memory_space<semaphore_mem>>) src(%arg13 : memref<2800xf32, #tpu.memory_space<vmem>>) dst(%dma_wait3A_66 : memref<2800xf32, #tpu.memory_space<hbm>>)
    return
  }
}

module attributes {stable_mosaic.version = 14 : i64} {
  func.func @_tc_body(%arg0: i32, %arg1: memref<8x56x256xi32, #tpu.memory_space<vmem>>, %arg2: memref<8x50x56xf32, #tpu.memory_space<vmem>>, %arg3: memref<56x128xf32, #tpu.memory_space<vmem>>, %arg4: memref<50x56xf32, #tpu.memory_space<vmem>>, %arg5: memref<3x128x128xf32, #tpu.memory_space<vmem>>, %arg6: memref<3x128xf32, #tpu.memory_space<vmem>>, %arg7: memref<3x128x128xf32, #tpu.memory_space<vmem>>, %arg8: memref<3x128xf32, #tpu.memory_space<vmem>>, %arg9: memref<128xf32, #tpu.memory_space<vmem>>, %arg10: memref<128xf32, #tpu.memory_space<vmem>>, %arg11: memref<8x50x128xf32, #tpu.memory_space<vmem>>) attributes {dimension_semantics = [#tpu.dimension_semantics<arbitrary>], iteration_bounds = array<i64: 128>, scalar_prefetch = 0 : i64, scratch_operands = 0 : i64, tpu.core_type = #tpu.core_type<tc>, window_params = [{transform_indices = @transform_0, window_bounds = array<i64: 8, 56, 256>}, {transform_indices = @transform_1, window_bounds = array<i64: 8, 50, 56>}, {pipeline_mode = #tpu.pipeline_mode<synchronous>, transform_indices = @transform_2, window_bounds = array<i64: 56, 128>}, {pipeline_mode = #tpu.pipeline_mode<synchronous>, transform_indices = @transform_3, window_bounds = array<i64: 50, 56>}, {pipeline_mode = #tpu.pipeline_mode<synchronous>, transform_indices = @transform_4, window_bounds = array<i64: 3, 128, 128>}, {pipeline_mode = #tpu.pipeline_mode<synchronous>, transform_indices = @transform_5, window_bounds = array<i64: 3, 128>}, {pipeline_mode = #tpu.pipeline_mode<synchronous>, transform_indices = @transform_6, window_bounds = array<i64: 3, 128, 128>}, {pipeline_mode = #tpu.pipeline_mode<synchronous>, transform_indices = @transform_7, window_bounds = array<i64: 3, 128>}, {pipeline_mode = #tpu.pipeline_mode<synchronous>, transform_indices = @transform_8, window_bounds = array<i64: 128>}, {pipeline_mode = #tpu.pipeline_mode<synchronous>, transform_indices = @transform_9, window_bounds = array<i64: 128>}, {transform_indices = @transform_10, window_bounds = array<i64: 8, 50, 128>}]} {
    %get3A = arith.constant 0 : index
    %get3A_0 = arith.constant 0 : index
    %get3A_1 = arith.constant 0 : index
    %get3A_2 = vector.load %arg1[%get3A, %get3A_0, %get3A_1] : memref<8x56x256xi32, #tpu.memory_space<vmem>>, vector<8x56x256xi32>
    %shift_left3A = arith.constant 16 : i32
    %shift_left3A_3 = vector.broadcast %shift_left3A : i32 to vector<8x56x256xi32>
    %shift_left3A_4 = arith.shli %get3A_2, %shift_left3A_3 : vector<8x56x256xi32>
    %bitcast_convert_type3A = tpu.bitcast %shift_left3A_4 : vector<8x56x256xi32> -> vector<8x56x256xf32>
    %and3A = arith.constant -65536 : i32
    %and3A_5 = vector.broadcast %and3A : i32 to vector<8x56x256xi32>
    %and3A_6 = arith.andi %get3A_2, %and3A_5 : vector<8x56x256xi32>
    %bitcast_convert_type3A_7 = tpu.bitcast %and3A_6 : vector<8x56x256xi32> -> vector<8x56x256xf32>
    %slice3A = vector.extract_strided_slice %bitcast_convert_type3A {offsets = [0, 0, 0], sizes = [8, 56, 128], strides = [1, 1, 1]} : vector<8x56x256xf32> to vector<8x56x128xf32>
    %slice3A_8 = vector.extract_strided_slice %bitcast_convert_type3A {offsets = [0, 0, 128], sizes = [8, 56, 128], strides = [1, 1, 1]} : vector<8x56x256xf32> to vector<8x56x128xf32>
    %slice3A_9 = vector.extract_strided_slice %bitcast_convert_type3A_7 {offsets = [0, 0, 0], sizes = [8, 56, 128], strides = [1, 1, 1]} : vector<8x56x256xf32> to vector<8x56x128xf32>
    %get3A_10 = arith.constant 0 : index
    %get3A_11 = arith.constant 0 : index
    %get3A_12 = vector.load %arg3[%get3A_10, %get3A_11] : memref<56x128xf32, #tpu.memory_space<vmem>>, vector<56x128xf32>
    %broadcast_in_dim3A = vector.shape_cast %get3A_12 : vector<56x128xf32> to vector<1x56x128xf32>
    %add3A = vector.broadcast %broadcast_in_dim3A : vector<1x56x128xf32> to vector<8x56x128xf32>
    %add3A_13 = arith.addf %slice3A, %add3A : vector<8x56x128xf32>
    %add3A_14 = arith.addf %add3A_13, %slice3A_8 : vector<8x56x128xf32>
    %mul3A = arith.mulf %add3A_14, %add3A_14 : vector<8x56x128xf32>
    %mul3A_15 = arith.mulf %slice3A_9, %slice3A_9 : vector<8x56x128xf32>
    %add3A_16 = arith.addf %mul3A, %mul3A_15 : vector<8x56x128xf32>
    %add3A_17 = arith.constant 9.99999993E-9 : f32
    %add3A_18 = vector.broadcast %add3A_17 : f32 to vector<8x56x128xf32>
    %add3A_19 = arith.addf %add3A_16, %add3A_18 : vector<8x56x128xf32>
    %sqrt3A = math.sqrt %add3A_19 : vector<8x56x128xf32>
    %mul3A_20 = arith.constant 1.000000e-01 : f32
    %mul3A_21 = vector.broadcast %mul3A_20 : f32 to vector<8x56x128xf32>
    %mul3A_22 = arith.mulf %mul3A_21, %sqrt3A : vector<8x56x128xf32>
    %tanh3A = math.tanh %add3A_14 : vector<8x56x128xf32>
    %mul3A_23 = arith.mulf %mul3A_22, %tanh3A : vector<8x56x128xf32>
    %add3A_24 = arith.addf %add3A_13, %mul3A_23 : vector<8x56x128xf32>
    %iota3A = tpu.iota {dimensions = array<i32: 0>} : vector<56x1xi32>
    %lt3A = arith.constant 50 : i32
    %lt3A_25 = vector.broadcast %lt3A : i32 to vector<56x1xi32>
    %lt3A_26 = arith.cmpi slt, %iota3A, %lt3A_25 : vector<56x1xi32>
    %convert_element_type3A = arith.extui %lt3A_26 : vector<56x1xi1> to vector<56x1xi32>
    %convert_element_type3A_27 = arith.sitofp %convert_element_type3A : vector<56x1xi32> to vector<56x1xf32>
    %broadcast_in_dim3A_28 = vector.shape_cast %convert_element_type3A_27 : vector<56x1xf32> to vector<1x56x1xf32>
    %mul3A_29 = vector.broadcast %broadcast_in_dim3A_28 : vector<1x56x1xf32> to vector<8x56x128xf32>
    %mul3A_30 = arith.mulf %add3A_24, %mul3A_29 : vector<8x56x128xf32>
    %slice3A_31 = vector.extract_strided_slice %add3A_24 {offsets = [0, 0, 0], sizes = [8, 50, 128], strides = [1, 1, 1]} : vector<8x56x128xf32> to vector<8x50x128xf32>
    %get3A_32 = arith.constant 0 : index
    %get3A_33 = arith.constant 0 : index
    %get3A_34 = arith.constant 0 : index
    %get3A_35 = vector.load %arg2[%get3A_32, %get3A_33, %get3A_34] : memref<8x50x56xf32, #tpu.memory_space<vmem>>, vector<8x50x56xf32>
    %get3A_36 = arith.constant 0 : index
    %get3A_37 = arith.constant 0 : index
    %get3A_38 = vector.load %arg4[%get3A_36, %get3A_37] : memref<50x56xf32, #tpu.memory_space<vmem>>, vector<50x56xf32>
    %broadcast_in_dim3A_39 = vector.shape_cast %get3A_38 : vector<50x56xf32> to vector<1x50x56xf32>
    %mul3A_40 = vector.broadcast %broadcast_in_dim3A_39 : vector<1x50x56xf32> to vector<8x50x56xf32>
    %mul3A_41 = arith.mulf %get3A_35, %mul3A_40 : vector<8x50x56xf32>
    %slice3A_42 = vector.extract_strided_slice %mul3A_41 {offsets = [0, 0, 0], sizes = [1, 50, 56], strides = [1, 1, 1]} : vector<8x50x56xf32> to vector<1x50x56xf32>
    %squeeze3A = vector.shape_cast %slice3A_42 : vector<1x50x56xf32> to vector<50x56xf32>
    %slice3A_43 = vector.extract_strided_slice %mul3A_30 {offsets = [0, 0, 0], sizes = [1, 56, 128], strides = [1, 1, 1]} : vector<8x56x128xf32> to vector<1x56x128xf32>
    %squeeze3A_44 = vector.shape_cast %slice3A_43 : vector<1x56x128xf32> to vector<56x128xf32>
    %dot_general3A = arith.constant dense<0.000000e+00> : vector<50x128xf32>
    %dot_general3A_45 = tpu.matmul %squeeze3A, %squeeze3A_44, %dot_general3A {dimension_numbers = #tpu.dot_dimension_numbers<[1], [0], [0], [1], [0, 0, 1, 1], [], []>, transpose_lhs_hint = false} : vector<50x56xf32>, vector<56x128xf32>, vector<50x128xf32> -> vector<50x128xf32>
    %slice3A_46 = vector.extract_strided_slice %mul3A_41 {offsets = [1, 0, 0], sizes = [1, 50, 56], strides = [1, 1, 1]} : vector<8x50x56xf32> to vector<1x50x56xf32>
    %squeeze3A_47 = vector.shape_cast %slice3A_46 : vector<1x50x56xf32> to vector<50x56xf32>
    %slice3A_48 = vector.extract_strided_slice %mul3A_30 {offsets = [1, 0, 0], sizes = [1, 56, 128], strides = [1, 1, 1]} : vector<8x56x128xf32> to vector<1x56x128xf32>
    %squeeze3A_49 = vector.shape_cast %slice3A_48 : vector<1x56x128xf32> to vector<56x128xf32>
    %dot_general3A_50 = arith.constant dense<0.000000e+00> : vector<50x128xf32>
    %dot_general3A_51 = tpu.matmul %squeeze3A_47, %squeeze3A_49, %dot_general3A_50 {dimension_numbers = #tpu.dot_dimension_numbers<[1], [0], [0], [1], [0, 0, 1, 1], [], []>, transpose_lhs_hint = false} : vector<50x56xf32>, vector<56x128xf32>, vector<50x128xf32> -> vector<50x128xf32>
    %slice3A_52 = vector.extract_strided_slice %mul3A_41 {offsets = [2, 0, 0], sizes = [1, 50, 56], strides = [1, 1, 1]} : vector<8x50x56xf32> to vector<1x50x56xf32>
    %squeeze3A_53 = vector.shape_cast %slice3A_52 : vector<1x50x56xf32> to vector<50x56xf32>
    %slice3A_54 = vector.extract_strided_slice %mul3A_30 {offsets = [2, 0, 0], sizes = [1, 56, 128], strides = [1, 1, 1]} : vector<8x56x128xf32> to vector<1x56x128xf32>
    %squeeze3A_55 = vector.shape_cast %slice3A_54 : vector<1x56x128xf32> to vector<56x128xf32>
    %dot_general3A_56 = arith.constant dense<0.000000e+00> : vector<50x128xf32>
    %dot_general3A_57 = tpu.matmul %squeeze3A_53, %squeeze3A_55, %dot_general3A_56 {dimension_numbers = #tpu.dot_dimension_numbers<[1], [0], [0], [1], [0, 0, 1, 1], [], []>, transpose_lhs_hint = false} : vector<50x56xf32>, vector<56x128xf32>, vector<50x128xf32> -> vector<50x128xf32>
    %slice3A_58 = vector.extract_strided_slice %mul3A_41 {offsets = [3, 0, 0], sizes = [1, 50, 56], strides = [1, 1, 1]} : vector<8x50x56xf32> to vector<1x50x56xf32>
    %squeeze3A_59 = vector.shape_cast %slice3A_58 : vector<1x50x56xf32> to vector<50x56xf32>
    %slice3A_60 = vector.extract_strided_slice %mul3A_30 {offsets = [3, 0, 0], sizes = [1, 56, 128], strides = [1, 1, 1]} : vector<8x56x128xf32> to vector<1x56x128xf32>
    %squeeze3A_61 = vector.shape_cast %slice3A_60 : vector<1x56x128xf32> to vector<56x128xf32>
    %dot_general3A_62 = arith.constant dense<0.000000e+00> : vector<50x128xf32>
    %dot_general3A_63 = tpu.matmul %squeeze3A_59, %squeeze3A_61, %dot_general3A_62 {dimension_numbers = #tpu.dot_dimension_numbers<[1], [0], [0], [1], [0, 0, 1, 1], [], []>, transpose_lhs_hint = false} : vector<50x56xf32>, vector<56x128xf32>, vector<50x128xf32> -> vector<50x128xf32>
    %slice3A_64 = vector.extract_strided_slice %mul3A_41 {offsets = [4, 0, 0], sizes = [1, 50, 56], strides = [1, 1, 1]} : vector<8x50x56xf32> to vector<1x50x56xf32>
    %squeeze3A_65 = vector.shape_cast %slice3A_64 : vector<1x50x56xf32> to vector<50x56xf32>
    %slice3A_66 = vector.extract_strided_slice %mul3A_30 {offsets = [4, 0, 0], sizes = [1, 56, 128], strides = [1, 1, 1]} : vector<8x56x128xf32> to vector<1x56x128xf32>
    %squeeze3A_67 = vector.shape_cast %slice3A_66 : vector<1x56x128xf32> to vector<56x128xf32>
    %dot_general3A_68 = arith.constant dense<0.000000e+00> : vector<50x128xf32>
    %dot_general3A_69 = tpu.matmul %squeeze3A_65, %squeeze3A_67, %dot_general3A_68 {dimension_numbers = #tpu.dot_dimension_numbers<[1], [0], [0], [1], [0, 0, 1, 1], [], []>, transpose_lhs_hint = false} : vector<50x56xf32>, vector<56x128xf32>, vector<50x128xf32> -> vector<50x128xf32>
    %slice3A_70 = vector.extract_strided_slice %mul3A_41 {offsets = [5, 0, 0], sizes = [1, 50, 56], strides = [1, 1, 1]} : vector<8x50x56xf32> to vector<1x50x56xf32>
    %squeeze3A_71 = vector.shape_cast %slice3A_70 : vector<1x50x56xf32> to vector<50x56xf32>
    %slice3A_72 = vector.extract_strided_slice %mul3A_30 {offsets = [5, 0, 0], sizes = [1, 56, 128], strides = [1, 1, 1]} : vector<8x56x128xf32> to vector<1x56x128xf32>
    %squeeze3A_73 = vector.shape_cast %slice3A_72 : vector<1x56x128xf32> to vector<56x128xf32>
    %dot_general3A_74 = arith.constant dense<0.000000e+00> : vector<50x128xf32>
    %dot_general3A_75 = tpu.matmul %squeeze3A_71, %squeeze3A_73, %dot_general3A_74 {dimension_numbers = #tpu.dot_dimension_numbers<[1], [0], [0], [1], [0, 0, 1, 1], [], []>, transpose_lhs_hint = false} : vector<50x56xf32>, vector<56x128xf32>, vector<50x128xf32> -> vector<50x128xf32>
    %slice3A_76 = vector.extract_strided_slice %mul3A_41 {offsets = [6, 0, 0], sizes = [1, 50, 56], strides = [1, 1, 1]} : vector<8x50x56xf32> to vector<1x50x56xf32>
    %squeeze3A_77 = vector.shape_cast %slice3A_76 : vector<1x50x56xf32> to vector<50x56xf32>
    %slice3A_78 = vector.extract_strided_slice %mul3A_30 {offsets = [6, 0, 0], sizes = [1, 56, 128], strides = [1, 1, 1]} : vector<8x56x128xf32> to vector<1x56x128xf32>
    %squeeze3A_79 = vector.shape_cast %slice3A_78 : vector<1x56x128xf32> to vector<56x128xf32>
    %dot_general3A_80 = arith.constant dense<0.000000e+00> : vector<50x128xf32>
    %dot_general3A_81 = tpu.matmul %squeeze3A_77, %squeeze3A_79, %dot_general3A_80 {dimension_numbers = #tpu.dot_dimension_numbers<[1], [0], [0], [1], [0, 0, 1, 1], [], []>, transpose_lhs_hint = false} : vector<50x56xf32>, vector<56x128xf32>, vector<50x128xf32> -> vector<50x128xf32>
    %slice3A_82 = vector.extract_strided_slice %mul3A_41 {offsets = [7, 0, 0], sizes = [1, 50, 56], strides = [1, 1, 1]} : vector<8x50x56xf32> to vector<1x50x56xf32>
    %squeeze3A_83 = vector.shape_cast %slice3A_82 : vector<1x50x56xf32> to vector<50x56xf32>
    %slice3A_84 = vector.extract_strided_slice %mul3A_30 {offsets = [7, 0, 0], sizes = [1, 56, 128], strides = [1, 1, 1]} : vector<8x56x128xf32> to vector<1x56x128xf32>
    %squeeze3A_85 = vector.shape_cast %slice3A_84 : vector<1x56x128xf32> to vector<56x128xf32>
    %dot_general3A_86 = arith.constant dense<0.000000e+00> : vector<50x128xf32>
    %dot_general3A_87 = tpu.matmul %squeeze3A_83, %squeeze3A_85, %dot_general3A_86 {dimension_numbers = #tpu.dot_dimension_numbers<[1], [0], [0], [1], [0, 0, 1, 1], [], []>, transpose_lhs_hint = false} : vector<50x56xf32>, vector<56x128xf32>, vector<50x128xf32> -> vector<50x128xf32>
    %stack3A = vector.shape_cast %dot_general3A_45 : vector<50x128xf32> to vector<1x50x128xf32>
    %stack3A_88 = vector.shape_cast %dot_general3A_51 : vector<50x128xf32> to vector<1x50x128xf32>
    %stack3A_89 = vector.shape_cast %dot_general3A_57 : vector<50x128xf32> to vector<1x50x128xf32>
    %stack3A_90 = vector.shape_cast %dot_general3A_63 : vector<50x128xf32> to vector<1x50x128xf32>
    %stack3A_91 = vector.shape_cast %dot_general3A_69 : vector<50x128xf32> to vector<1x50x128xf32>
    %stack3A_92 = vector.shape_cast %dot_general3A_75 : vector<50x128xf32> to vector<1x50x128xf32>
    %stack3A_93 = vector.shape_cast %dot_general3A_81 : vector<50x128xf32> to vector<1x50x128xf32>
    %stack3A_94 = vector.shape_cast %dot_general3A_87 : vector<50x128xf32> to vector<1x50x128xf32>
    %stack3A_95 = tpu.concatenate %stack3A, %stack3A_88, %stack3A_89, %stack3A_90, %stack3A_91, %stack3A_92, %stack3A_93, %stack3A_94 in 0 : vector<1x50x128xf32>, vector<1x50x128xf32>, vector<1x50x128xf32>, vector<1x50x128xf32>, vector<1x50x128xf32>, vector<1x50x128xf32>, vector<1x50x128xf32>, vector<1x50x128xf32> -> vector<8x50x128xf32>
    %mul3A_96 = arith.constant 1.000000e-01 : f32
    %mul3A_97 = vector.broadcast %mul3A_96 : f32 to vector<8x50x128xf32>
    %mul3A_98 = arith.mulf %mul3A_97, %stack3A_95 : vector<8x50x128xf32>
    %add3A_99 = arith.addf %slice3A_31, %mul3A_98 : vector<8x50x128xf32>
    %reshape3A = vector.shape_cast %add3A_99 : vector<8x50x128xf32> to vector<400x128xf32>
    %get3A_100 = arith.constant 0 : index
    %get3A_101 = arith.constant 0 : index
    %get3A_102 = arith.constant 0 : index
    %get3A_103 = vector.load %arg5[%get3A_100, %get3A_101, %get3A_102] : memref<3x128x128xf32, #tpu.memory_space<vmem>>, vector<1x128x128xf32>
    %get3A_104 = vector.shape_cast %get3A_103 : vector<1x128x128xf32> to vector<128x128xf32>
    %dot_general3A_105 = arith.constant dense<0.000000e+00> : vector<400x128xf32>
    %dot_general3A_106 = tpu.matmul %reshape3A, %get3A_104, %dot_general3A_105 {dimension_numbers = #tpu.dot_dimension_numbers<[1], [1], [0], [0], [0, 0, 1, 0], [], []>, transpose_lhs_hint = false} : vector<400x128xf32>, vector<128x128xf32>, vector<400x128xf32> -> vector<400x128xf32>
    %get3A_107 = arith.constant 0 : index
    %get3A_108 = arith.constant 0 : index
    %get3A_109 = vector.load %arg6[%get3A_107, %get3A_108] : memref<3x128xf32, #tpu.memory_space<vmem>>, vector<1x128xf32>
    %get3A_110 = vector.shape_cast %get3A_109 : vector<1x128xf32> to vector<128xf32>
    %broadcast_in_dim3A_111 = vector.shape_cast %get3A_110 : vector<128xf32> to vector<1x128xf32>
    %add3A_112 = vector.broadcast %broadcast_in_dim3A_111 : vector<1x128xf32> to vector<400x128xf32>
    %add3A_113 = arith.addf %dot_general3A_106, %add3A_112 : vector<400x128xf32>
    %get3A_114 = arith.constant 0 : index
    %get3A_115 = arith.constant 0 : index
    %get3A_116 = arith.constant 0 : index
    %get3A_117 = vector.load %arg7[%get3A_114, %get3A_115, %get3A_116] : memref<3x128x128xf32, #tpu.memory_space<vmem>>, vector<1x128x128xf32>
    %get3A_118 = vector.shape_cast %get3A_117 : vector<1x128x128xf32> to vector<128x128xf32>
    %dot_general3A_119 = arith.constant dense<0.000000e+00> : vector<400x128xf32>
    %dot_general3A_120 = tpu.matmul %reshape3A, %get3A_118, %dot_general3A_119 {dimension_numbers = #tpu.dot_dimension_numbers<[1], [1], [0], [0], [0, 0, 1, 0], [], []>, transpose_lhs_hint = false} : vector<400x128xf32>, vector<128x128xf32>, vector<400x128xf32> -> vector<400x128xf32>
    %get3A_121 = arith.constant 0 : index
    %get3A_122 = arith.constant 0 : index
    %get3A_123 = vector.load %arg8[%get3A_121, %get3A_122] : memref<3x128xf32, #tpu.memory_space<vmem>>, vector<1x128xf32>
    %get3A_124 = vector.shape_cast %get3A_123 : vector<1x128xf32> to vector<128xf32>
    %broadcast_in_dim3A_125 = vector.shape_cast %get3A_124 : vector<128xf32> to vector<1x128xf32>
    %add3A_126 = vector.broadcast %broadcast_in_dim3A_125 : vector<1x128xf32> to vector<400x128xf32>
    %add3A_127 = arith.addf %dot_general3A_120, %add3A_126 : vector<400x128xf32>
    %logistic3A = arith.negf %add3A_127 : vector<400x128xf32>
    %logistic3A_128 = math.exp %logistic3A : vector<400x128xf32>
    %logistic3A_129 = arith.constant 1.000000e+00 : f32
    %logistic3A_130 = vector.broadcast %logistic3A_129 : f32 to vector<400x128xf32>
    %logistic3A_131 = arith.addf %logistic3A_130, %logistic3A_128 : vector<400x128xf32>
    %logistic3A_132 = arith.divf %logistic3A_130, %logistic3A_131 : vector<400x128xf32>
    %mul3A_133 = arith.mulf %add3A_113, %logistic3A_132 : vector<400x128xf32>
    %sub3A = arith.constant 1.000000e+00 : f32
    %sub3A_134 = vector.broadcast %sub3A : f32 to vector<400x128xf32>
    %sub3A_135 = arith.subf %sub3A_134, %logistic3A_132 : vector<400x128xf32>
    %mul3A_136 = arith.mulf %reshape3A, %sub3A_135 : vector<400x128xf32>
    %add3A_137 = arith.addf %mul3A_133, %mul3A_136 : vector<400x128xf32>
    %get3A_138 = arith.constant 1 : index
    %get3A_139 = arith.constant 0 : index
    %get3A_140 = arith.constant 0 : index
    %get3A_141 = vector.load %arg5[%get3A_138, %get3A_139, %get3A_140] : memref<3x128x128xf32, #tpu.memory_space<vmem>>, vector<1x128x128xf32>
    %get3A_142 = vector.shape_cast %get3A_141 : vector<1x128x128xf32> to vector<128x128xf32>
    %dot_general3A_143 = arith.constant dense<0.000000e+00> : vector<400x128xf32>
    %dot_general3A_144 = tpu.matmul %add3A_137, %get3A_142, %dot_general3A_143 {dimension_numbers = #tpu.dot_dimension_numbers<[1], [1], [0], [0], [0, 0, 1, 0], [], []>, transpose_lhs_hint = false} : vector<400x128xf32>, vector<128x128xf32>, vector<400x128xf32> -> vector<400x128xf32>
    %get3A_145 = arith.constant 1 : index
    %get3A_146 = arith.constant 0 : index
    %get3A_147 = vector.load %arg6[%get3A_145, %get3A_146] : memref<3x128xf32, #tpu.memory_space<vmem>>, vector<1x128xf32>
    %get3A_148 = vector.shape_cast %get3A_147 : vector<1x128xf32> to vector<128xf32>
    %broadcast_in_dim3A_149 = vector.shape_cast %get3A_148 : vector<128xf32> to vector<1x128xf32>
    %add3A_150 = vector.broadcast %broadcast_in_dim3A_149 : vector<1x128xf32> to vector<400x128xf32>
    %add3A_151 = arith.addf %dot_general3A_144, %add3A_150 : vector<400x128xf32>
    %get3A_152 = arith.constant 1 : index
    %get3A_153 = arith.constant 0 : index
    %get3A_154 = arith.constant 0 : index
    %get3A_155 = vector.load %arg7[%get3A_152, %get3A_153, %get3A_154] : memref<3x128x128xf32, #tpu.memory_space<vmem>>, vector<1x128x128xf32>
    %get3A_156 = vector.shape_cast %get3A_155 : vector<1x128x128xf32> to vector<128x128xf32>
    %dot_general3A_157 = arith.constant dense<0.000000e+00> : vector<400x128xf32>
    %dot_general3A_158 = tpu.matmul %add3A_137, %get3A_156, %dot_general3A_157 {dimension_numbers = #tpu.dot_dimension_numbers<[1], [1], [0], [0], [0, 0, 1, 0], [], []>, transpose_lhs_hint = false} : vector<400x128xf32>, vector<128x128xf32>, vector<400x128xf32> -> vector<400x128xf32>
    %get3A_159 = arith.constant 1 : index
    %get3A_160 = arith.constant 0 : index
    %get3A_161 = vector.load %arg8[%get3A_159, %get3A_160] : memref<3x128xf32, #tpu.memory_space<vmem>>, vector<1x128xf32>
    %get3A_162 = vector.shape_cast %get3A_161 : vector<1x128xf32> to vector<128xf32>
    %broadcast_in_dim3A_163 = vector.shape_cast %get3A_162 : vector<128xf32> to vector<1x128xf32>
    %add3A_164 = vector.broadcast %broadcast_in_dim3A_163 : vector<1x128xf32> to vector<400x128xf32>
    %add3A_165 = arith.addf %dot_general3A_158, %add3A_164 : vector<400x128xf32>
    %logistic3A_166 = arith.negf %add3A_165 : vector<400x128xf32>
    %logistic3A_167 = math.exp %logistic3A_166 : vector<400x128xf32>
    %logistic3A_168 = arith.constant 1.000000e+00 : f32
    %logistic3A_169 = vector.broadcast %logistic3A_168 : f32 to vector<400x128xf32>
    %logistic3A_170 = arith.addf %logistic3A_169, %logistic3A_167 : vector<400x128xf32>
    %logistic3A_171 = arith.divf %logistic3A_169, %logistic3A_170 : vector<400x128xf32>
    %mul3A_172 = arith.mulf %add3A_151, %logistic3A_171 : vector<400x128xf32>
    %sub3A_173 = arith.constant 1.000000e+00 : f32
    %sub3A_174 = vector.broadcast %sub3A_173 : f32 to vector<400x128xf32>
    %sub3A_175 = arith.subf %sub3A_174, %logistic3A_171 : vector<400x128xf32>
    %mul3A_176 = arith.mulf %add3A_137, %sub3A_175 : vector<400x128xf32>
    %add3A_177 = arith.addf %mul3A_172, %mul3A_176 : vector<400x128xf32>
    %get3A_178 = arith.constant 2 : index
    %get3A_179 = arith.constant 0 : index
    %get3A_180 = arith.constant 0 : index
    %get3A_181 = vector.load %arg5[%get3A_178, %get3A_179, %get3A_180] : memref<3x128x128xf32, #tpu.memory_space<vmem>>, vector<1x128x128xf32>
    %get3A_182 = vector.shape_cast %get3A_181 : vector<1x128x128xf32> to vector<128x128xf32>
    %dot_general3A_183 = arith.constant dense<0.000000e+00> : vector<400x128xf32>
    %dot_general3A_184 = tpu.matmul %add3A_177, %get3A_182, %dot_general3A_183 {dimension_numbers = #tpu.dot_dimension_numbers<[1], [1], [0], [0], [0, 0, 1, 0], [], []>, transpose_lhs_hint = false} : vector<400x128xf32>, vector<128x128xf32>, vector<400x128xf32> -> vector<400x128xf32>
    %get3A_185 = arith.constant 2 : index
    %get3A_186 = arith.constant 0 : index
    %get3A_187 = vector.load %arg6[%get3A_185, %get3A_186] : memref<3x128xf32, #tpu.memory_space<vmem>>, vector<1x128xf32>
    %get3A_188 = vector.shape_cast %get3A_187 : vector<1x128xf32> to vector<128xf32>
    %broadcast_in_dim3A_189 = vector.shape_cast %get3A_188 : vector<128xf32> to vector<1x128xf32>
    %add3A_190 = vector.broadcast %broadcast_in_dim3A_189 : vector<1x128xf32> to vector<400x128xf32>
    %add3A_191 = arith.addf %dot_general3A_184, %add3A_190 : vector<400x128xf32>
    %get3A_192 = arith.constant 2 : index
    %get3A_193 = arith.constant 0 : index
    %get3A_194 = arith.constant 0 : index
    %get3A_195 = vector.load %arg7[%get3A_192, %get3A_193, %get3A_194] : memref<3x128x128xf32, #tpu.memory_space<vmem>>, vector<1x128x128xf32>
    %get3A_196 = vector.shape_cast %get3A_195 : vector<1x128x128xf32> to vector<128x128xf32>
    %dot_general3A_197 = arith.constant dense<0.000000e+00> : vector<400x128xf32>
    %dot_general3A_198 = tpu.matmul %add3A_177, %get3A_196, %dot_general3A_197 {dimension_numbers = #tpu.dot_dimension_numbers<[1], [1], [0], [0], [0, 0, 1, 0], [], []>, transpose_lhs_hint = false} : vector<400x128xf32>, vector<128x128xf32>, vector<400x128xf32> -> vector<400x128xf32>
    %get3A_199 = arith.constant 2 : index
    %get3A_200 = arith.constant 0 : index
    %get3A_201 = vector.load %arg8[%get3A_199, %get3A_200] : memref<3x128xf32, #tpu.memory_space<vmem>>, vector<1x128xf32>
    %get3A_202 = vector.shape_cast %get3A_201 : vector<1x128xf32> to vector<128xf32>
    %broadcast_in_dim3A_203 = vector.shape_cast %get3A_202 : vector<128xf32> to vector<1x128xf32>
    %add3A_204 = vector.broadcast %broadcast_in_dim3A_203 : vector<1x128xf32> to vector<400x128xf32>
    %add3A_205 = arith.addf %dot_general3A_198, %add3A_204 : vector<400x128xf32>
    %logistic3A_206 = arith.negf %add3A_205 : vector<400x128xf32>
    %logistic3A_207 = math.exp %logistic3A_206 : vector<400x128xf32>
    %logistic3A_208 = arith.constant 1.000000e+00 : f32
    %logistic3A_209 = vector.broadcast %logistic3A_208 : f32 to vector<400x128xf32>
    %logistic3A_210 = arith.addf %logistic3A_209, %logistic3A_207 : vector<400x128xf32>
    %logistic3A_211 = arith.divf %logistic3A_209, %logistic3A_210 : vector<400x128xf32>
    %mul3A_212 = arith.mulf %add3A_191, %logistic3A_211 : vector<400x128xf32>
    %sub3A_213 = arith.constant 1.000000e+00 : f32
    %sub3A_214 = vector.broadcast %sub3A_213 : f32 to vector<400x128xf32>
    %sub3A_215 = arith.subf %sub3A_214, %logistic3A_211 : vector<400x128xf32>
    %mul3A_216 = arith.mulf %add3A_177, %sub3A_215 : vector<400x128xf32>
    %add3A_217 = arith.addf %mul3A_212, %mul3A_216 : vector<400x128xf32>
    %reduce_sum3A = arith.constant dense<0.000000e+00> : vector<400xf32>
    %reduce_sum3A_218 = vector.multi_reduction <add>, %add3A_217, %reduce_sum3A [1] : vector<400x128xf32> to vector<400xf32>
    %broadcast_in_dim3A_219 = vector.shape_cast %reduce_sum3A_218 : vector<400xf32> to vector<400x1xf32>
    %div3A = arith.constant 1.280000e+02 : f32
    %div3A_220 = vector.broadcast %div3A : f32 to vector<400x1xf32>
    %div3A_221 = arith.divf %broadcast_in_dim3A_219, %div3A_220 : vector<400x1xf32>
    %sub3A_222 = vector.broadcast %div3A_221 : vector<400x1xf32> to vector<400x128xf32>
    %sub3A_223 = arith.subf %add3A_217, %sub3A_222 : vector<400x128xf32>
    %integer_pow3A = arith.mulf %sub3A_223, %sub3A_223 : vector<400x128xf32>
    %reduce_sum3A_224 = arith.constant dense<0.000000e+00> : vector<400xf32>
    %reduce_sum3A_225 = vector.multi_reduction <add>, %integer_pow3A, %reduce_sum3A_224 [1] : vector<400x128xf32> to vector<400xf32>
    %broadcast_in_dim3A_226 = vector.shape_cast %reduce_sum3A_225 : vector<400xf32> to vector<400x1xf32>
    %div3A_227 = arith.constant 1.280000e+02 : f32
    %div3A_228 = vector.broadcast %div3A_227 : f32 to vector<400x1xf32>
    %div3A_229 = arith.divf %broadcast_in_dim3A_226, %div3A_228 : vector<400x1xf32>
    %sub3A_230 = vector.broadcast %div3A_221 : vector<400x1xf32> to vector<400x128xf32>
    %sub3A_231 = arith.subf %add3A_217, %sub3A_230 : vector<400x128xf32>
    %add3A_232 = arith.constant 9.99999974E-6 : f32
    %add3A_233 = vector.broadcast %add3A_232 : f32 to vector<400x1xf32>
    %add3A_234 = arith.addf %div3A_229, %add3A_233 : vector<400x1xf32>
    %rsqrt3A = math.rsqrt %add3A_234 : vector<400x1xf32>
    %mul3A_235 = vector.broadcast %rsqrt3A : vector<400x1xf32> to vector<400x128xf32>
    %mul3A_236 = arith.mulf %sub3A_231, %mul3A_235 : vector<400x128xf32>
    %get3A_237 = arith.constant 0 : index
    %get3A_238 = vector.load %arg9[%get3A_237] : memref<128xf32, #tpu.memory_space<vmem>>, vector<128xf32>
    %broadcast_in_dim3A_239 = vector.shape_cast %get3A_238 : vector<128xf32> to vector<1x128xf32>
    %mul3A_240 = vector.broadcast %broadcast_in_dim3A_239 : vector<1x128xf32> to vector<400x128xf32>
    %mul3A_241 = arith.mulf %mul3A_236, %mul3A_240 : vector<400x128xf32>
    %get3A_242 = arith.constant 0 : index
    %get3A_243 = vector.load %arg10[%get3A_242] : memref<128xf32, #tpu.memory_space<vmem>>, vector<128xf32>
    %broadcast_in_dim3A_244 = vector.shape_cast %get3A_243 : vector<128xf32> to vector<1x128xf32>
    %add3A_245 = vector.broadcast %broadcast_in_dim3A_244 : vector<1x128xf32> to vector<400x128xf32>
    %add3A_246 = arith.addf %mul3A_241, %add3A_245 : vector<400x128xf32>
    %reshape3A_247 = vector.shape_cast %add3A_246 : vector<400x128xf32> to vector<8x50x128xf32>
    %swap3A = arith.constant 0 : index
    %swap3A_248 = arith.constant 0 : index
    %swap3A_249 = arith.constant 0 : index
    %swap3A_250 = vector.load %arg11[%swap3A, %swap3A_248, %swap3A_249] : memref<8x50x128xf32, #tpu.memory_space<vmem>>, vector<8x50x128xf32>
    tpu.vector_store %arg11[%swap3A, %swap3A_248, %swap3A_249], %reshape3A_247 {strides = array<i32>} : memref<8x50x128xf32, #tpu.memory_space<vmem>>, vector<8x50x128xf32>,
    return
  }
  func.func @transform_0(%arg0: i32) -> (i32, i32, i32) {
    %c0_i32 = arith.constant 0 : i32
    %c0_i32_0 = arith.constant 0 : i32
    %c0_i32_1 = arith.constant 0 : i32
    return %arg0, %c0_i32, %c0_i32_0 : i32, i32, i32
  }
  func.func @transform_1(%arg0: i32) -> (i32, i32, i32) {
    %c0_i32 = arith.constant 0 : i32
    %c0_i32_0 = arith.constant 0 : i32
    %c0_i32_1 = arith.constant 0 : i32
    return %arg0, %c0_i32, %c0_i32_0 : i32, i32, i32
  }
  func.func @transform_2(%arg0: i32) -> (i32, i32) {
    %c0_i32 = arith.constant 0 : i32
    %c0_i32_0 = arith.constant 0 : i32
    %c0_i32_1 = arith.constant 0 : i32
    return %c0_i32, %c0_i32_0 : i32, i32
  }
  func.func @transform_3(%arg0: i32) -> (i32, i32) {
    %c0_i32 = arith.constant 0 : i32
    %c0_i32_0 = arith.constant 0 : i32
    %c0_i32_1 = arith.constant 0 : i32
    return %c0_i32, %c0_i32_0 : i32, i32
  }
  func.func @transform_4(%arg0: i32) -> (i32, i32, i32) {
    %c0_i32 = arith.constant 0 : i32
    %c0_i32_0 = arith.constant 0 : i32
    %c0_i32_1 = arith.constant 0 : i32
    %c0_i32_2 = arith.constant 0 : i32
    return %c0_i32, %c0_i32_0, %c0_i32_1 : i32, i32, i32
  }
  func.func @transform_5(%arg0: i32) -> (i32, i32) {
    %c0_i32 = arith.constant 0 : i32
    %c0_i32_0 = arith.constant 0 : i32
    %c0_i32_1 = arith.constant 0 : i32
    return %c0_i32, %c0_i32_0 : i32, i32
  }
  func.func @transform_6(%arg0: i32) -> (i32, i32, i32) {
    %c0_i32 = arith.constant 0 : i32
    %c0_i32_0 = arith.constant 0 : i32
    %c0_i32_1 = arith.constant 0 : i32
    %c0_i32_2 = arith.constant 0 : i32
    return %c0_i32, %c0_i32_0, %c0_i32_1 : i32, i32, i32
  }
  func.func @transform_7(%arg0: i32) -> (i32, i32) {
    %c0_i32 = arith.constant 0 : i32
    %c0_i32_0 = arith.constant 0 : i32
    %c0_i32_1 = arith.constant 0 : i32
    return %c0_i32, %c0_i32_0 : i32, i32
  }
  func.func @transform_8(%arg0: i32) -> i32 {
    %c0_i32 = arith.constant 0 : i32
    %c0_i32_0 = arith.constant 0 : i32
    return %c0_i32 : i32
  }
  func.func @transform_9(%arg0: i32) -> i32 {
    %c0_i32 = arith.constant 0 : i32
    %c0_i32_0 = arith.constant 0 : i32
    return %c0_i32 : i32
  }
  func.func @transform_10(%arg0: i32) -> (i32, i32, i32) {
    %c0_i32 = arith.constant 0 : i32
    %c0_i32_0 = arith.constant 0 : i32
    %c0_i32_1 = arith.constant 0 : i32
    return %arg0, %c0_i32, %c0_i32_0 : i32, i32, i32
  }
}

</mosaic_0001>

<sc_bundles>
// kernel: kernel.4.cloned.1.call-start
scs
__scs_entry_jumppad:
0x0: {  	(pc) =	sbr.rel $0x88, $3  }
0x1: {  	(tag) =	ssettag $0x0;
	lr =	simm.s32 $0x1  }
0x2: {  	[smem:$0x3F97] =	sst lr;
	_ =	strace $0xD0000000  }
0x3: {  	_ = 	snop  }
0x4: {  	_ = 	snop  }
0x5: {  	_ = 	snop  }
0x6: {  	_ = 	snop  }
0x7: {  	_ = 	snop  }
__scs_overlays_trampoline_lowered:
0x8: {  	[smem:$0x3FA6] =	sst s0  }
0x9: {  	[smem:$0x3FA7] =	sst s1  }
0xa: {  	[smem:$0x3FA8] =	sst s2  }
0xb: {  	[smem:$0x3FA9] =	sst s3  }
0xc: {  	[smem:$0x3FAA] =	sst s4  }
0xd: {  	[smem:$0x3FAB] =	sst s5  }
0xe: {  	[smem:$0x3FAC] =	sst s6  }
0xf: {  	[smem:$0x3FAD] =	sst s7  }
0x10: {  	[smem:$0x3FAE] =	sst s8  }
0x11: {  	[smem:$0x3FAF] =	sst s9;
	s0 =	simm.s32 @!p0 $0x0  }
0x12: {  	s1 =	sld [smem:$0x3F95];
	s0 =	simm.s32 @p0 $0x1  }
0x13: {  	[smem:$0x3FB0] =	sst s0;
	s0 =	simm.s32 @!p1 $0x0  }
0x14: {  	s2 =	sld [smem:$0x3F94];
	s0 =	simm.s32 @p1 $0x1  }
0x15: {  	[smem:$0x3FB1] =	sst s0;
	s0 =	simm.s32 @!p2 $0x0  }
0x16: {  	s3 =	sld [smem:$0x3FDB];
	s0 =	simm.s32 @p2 $0x1  }
0x17: {  	s4 =	simm.s32 $0x1BF5;
	[smem:$0x3FB3] =	sst s0  }
0x18: {  	s0 =	sld [smem:$0x3F96];
	_ =	swait.ge [sflag:s4], $0x0  }
0x19: {  	s7 =	sld [smem:$0x3F97]  }
0x1a: {  	s8 =	sadd.s32 $0xFFFFE003, lr  }
0x1b: {  	s9 =	sadd.s32 $0xFFFFFEF7, lr;
	s5 =	simm.s32 $0xFFFFFFFF;
	p2 =	slt.u32 s8, $0xFFFFF086  }
0x1c: {  	p1 =	slt.u32 s9, $0xF7A;
	s5 =	simm.s32 @!p2 $0x0  }
0x1d: {  	s5 =	simm.s32 @p1 $0x1;
	p0 =	seq.s32 s7, s2  }
0x1e: {  	s7 =	smul.u32 @!p0 $0xF7A, s2;
	p2 =	seq.s32 @!p0 s5, $0x0  }
0x1f: {  	s9 =	smul.u32 $0xF7A, s1;
	s8 =	simm.s32 @!p0 $0x1BF5;
	p2 =	por !p2, p0  }
0x20: {  	[sflag:s8] =	ssyncset.s32 @!p0 $0xFFFFF086;
	s6 =	sadd.s32 @!p0 s3, s7;
	s7 =	simm.s32 @!p0 $0x108  }
0x21: {  	s3 =	sadd.s32 s3, s9;
	s6 =	sadd.s32 @!p0 $0x88, s6;
	s7 =	simm.s32 @p2 $0x1082  }
0x22: {  	[simem:s7], [sflag:s8] =	dma.local @!p0 [hbm:s6], $0xF7A  }
0x23: {  	s9 =	sor.u32 $0xD0000000, s2;
	s6 =	simm.s32 $0x108;
	_ =	swait.ge @!p0 [sflag:s8], $0x0  }
0x24: {  	s3 =	sadd.s32 $0x88, s3;
	s6 =	simm.s32 @!p1 $0x1082;
	[sflag:s4] =	ssyncset.s32 $0xFFFFF086  }
0x25: {  	[simem:s6], [sflag:s4] =	dma.local [hbm:s3], $0xF7A  }
0x26: {  	[smem:$0x3F97] =	sst s1;
	(tag) =	ssettag s2;
	_ =	strace s9  }
0x27: {  	s1 =	sld [smem:$0x3FA7]  }
0x28: {  	s2 =	sld [smem:$0x3FA8]  }
0x29: {  	s4 =	sld [smem:$0x3FAA]  }
0x2a: {  	p0 =	seq.s32 s5, $0x0;
	s5 =	sld [smem:$0x3FAB]  }
0x2b: {  	s6 =	sld [smem:$0x3FAC]  }
0x2c: {  	s7 =	sld [smem:$0x3FAD]  }
0x2d: {  	s3 =	simm.s32 $0x108;
	s8 =	sld [smem:$0x3FAE]  }
0x2e: {  	s3 =	simm.s32 @!p0 $0x1082;
	s9 =	sld [smem:$0x3FAF]  }
0x2f: {  	lr =	sadd.s32 s0, s3;
	s0 =	sld [smem:$0x3FA6]  }
0x30: {  	s3 =	sld [smem:$0x3FA9]  }
0x31: {  	[smem:$0x3FB2] =	sst s10  }
0x32: {  	s10 =	sld [smem:$0x3FB0];
	_ =	sdelay $0x3  }
0x33: {  	p0 =	seq.s32 s10, $0x1;
	s10 =	sld [smem:$0x3FB2];
	_ =	sdelay $0x3  }
0x34: {  	[smem:$0x3FB2] =	sst s10  }
0x35: {  	s10 =	sld [smem:$0x3FB1];
	_ =	sdelay $0x3  }
0x36: {  	p1 =	seq.s32 s10, $0x1;
	s10 =	sld [smem:$0x3FB2];
	_ =	sdelay $0x3  }
0x37: {  	[smem:$0x3FB2] =	sst s10  }
0x38: {  	s10 =	sld [smem:$0x3FB3]  }
0x39: {  	_ = 	snop;
	(pc) =	sbr.ind lr, $3  }
0x3a: {  	_ = 	snop  }
0x3b: {  	_ = 	snop  }
0x3c: {  	p2 =	seq.s32 s10, $0x1;
	s10 =	sld [smem:$0x3FB2]  }
0x3d: {  	_ =	shalt  }
0x3e: {  	_ =	shalt  }
0x3f: {  	_ =	shalt  }
0x40: {  	_ =	shalt  }
0x41: {  	_ =	shalt  }
0x42: {  	_ =	shalt  }
0x43: {  	_ =	shalt  }
0x44: {  	_ =	shalt  }
0x45: {  	_ =	shalt  }
0x46: {  	_ =	shalt  }
0x47: {  	_ =	shalt  }
0x48: {  	_ =	shalt  }
0x49: {  	_ =	shalt  }
0x4a: {  	_ =	shalt  }
0x4b: {  	_ =	shalt  }
0x4c: {  	_ =	shalt  }
0x4d: {  	_ =	shalt  }
0x4e: {  	_ =	shalt  }
0x4f: {  	_ =	shalt  }
0x50: {  	_ =	shalt  }
0x51: {  	_ =	shalt  }
0x52: {  	_ =	shalt  }
0x53: {  	_ =	shalt  }
0x54: {  	_ =	shalt  }
0x55: {  	_ =	shalt  }
0x56: {  	_ =	shalt  }
0x57: {  	_ =	shalt  }
0x58: {  	_ =	shalt  }
0x59: {  	_ =	shalt  }
0x5a: {  	_ =	shalt  }
0x5b: {  	_ =	shalt  }
0x5c: {  	_ =	shalt  }
0x5d: {  	_ =	shalt  }
0x5e: {  	_ =	shalt  }
0x5f: {  	_ =	shalt  }
0x60: {  	_ =	shalt  }
0x61: {  	_ =	shalt  }
0x62: {  	_ =	shalt  }
0x63: {  	_ =	shalt  }
0x64: {  	_ =	shalt  }
0x65: {  	_ =	shalt  }
0x66: {  	_ =	shalt  }
0x67: {  	_ =	shalt  }
0x68: {  	_ =	shalt  }
0x69: {  	_ =	shalt  }
0x6a: {  	_ =	shalt  }
0x6b: {  	_ =	shalt  }
0x6c: {  	_ =	shalt  }
0x6d: {  	_ =	shalt  }
0x6e: {  	_ =	shalt  }
0x6f: {  	_ =	shalt  }
0x70: {  	_ =	shalt  }
0x71: {  	_ =	shalt  }
0x72: {  	_ =	shalt  }
0x73: {  	_ =	shalt  }
0x74: {  	_ =	shalt  }
0x75: {  	_ =	shalt  }
0x76: {  	_ =	shalt  }
0x77: {  	_ =	shalt  }
0x78: {  	_ =	shalt  }
0x79: {  	_ =	shalt  }
0x7a: {  	_ =	shalt  }
0x7b: {  	_ =	shalt  }
0x7c: {  	_ =	shalt  }
0x7d: {  	_ =	shalt  }
0x7e: {  	_ =	shalt  }
0x7f: {  	_ =	shalt  }
0x80: {  	_ =	shalt  }
0x81: {  	_ =	shalt  }
0x82: {  	_ =	shalt  }
0x83: {  	_ =	shalt  }
0x84: {  	_ =	shalt  }
0x85: {  	_ =	shalt  }
0x86: {  	_ =	shalt  }
0x87: {  	_ =	shalt  }
.Lfunc_end0:
.L_simem_size_0:
called_computation_lowered:
.L_overlay_start_0:
0x88: {  	s2 =	sld [smem:$0x3FD9]  }
0x89: {  	s3 =	sld [smem:$0x3FFE];
	_ =	sdelay $0x1  }
0x8a: {  	s1 =	srdreg.scid  }
0x8b: {  	s0 =	sand.u32 $0x1, s1  }
0x8c: {  	s17 =	sshll.u32 s0, $0xA;
	s2 =	sadd.s32 s3, s2  }
0x8d: {  	s2 =	sadd.s32 s2, s17  }
0x8e: {  	[smem:$0x3FBE] =	sst s2  }
0x8f: {  	_ = 	snop  }
0x90: {  	s2 =	sld [smem:$0x3FD0];
	(tm) =	ssettm $0x1  }
0x91: {  	s18 =	sld [smem:$0x3FFB];
	_ =	sdelay $0x3  }
0x92: {  	_ =	strace s18  }
0x93: {  	s3 =	sld [smem:$0x3FFC];
	_ =	sdelay $0x3  }
0x94: {  	_ =	strace s3  }
0x95: {  	s3 =	sld [smem:$0x3FFD];
	_ =	sdelay $0x3  }
0x96: {  	_ =	strace s3  }
0x97: {  	_ =	strace $0x8FFFFFFF  }
0x98: {  	s19 =	sld [smem:$0x3FDB];
	_ =	sdelay $0x1  }
0x99: {  	s4 =	simm.s32 $_scs_section_size  }
0x9a: {  	s5 =	simm.s32 $_size__tile_overlayer_lowered;
	s6 =	simm.s32 $_tile_overlayer_lowered  }
0x9b: {  	s22 =	simm.s32 $0x1BFF;
	s21 =	sshll.u32 s6, $0x1;
	s3 =	sadd.s32 s4, s19  }
0x9c: {  	s7 =	simm.s32 $0x0;
	s20 =	sshll.u32 s5, $0x1;
	s5 =	sadd.s32 s21, s3  }
0x9d: {  	[timem:s7], [sflag:s22] =	dma.local [hbm:s5], s20  }
0x9e: {  	_ =	swait.ge [sflag:s22], s20  }
0x9f: {  	s4 =	ssub.s32 $0x0, s20;
	[sflag:s22] =	ssyncset.done $0x0  }
0xa0: {  	[sflag:s22] =	ssyncadd.s32 s4;
	_ =	sdelay $0x1  }
0xa1: {  	s23 =	simm.s32 $0x1B8B  }
0xa2: {  	_ =	swait.ge [sflag:s23], $0x1  }
0xa3: {  	[sflag:s23] =	ssyncset.done $0x0  }
0xa4: {  	s25 =	simm.s32 $0x1B8E;
	s24 =	sld [smem:$0x3FFE];
	[sflag:s23] =	ssyncadd.s32 $0xFFFFFFFF  }
0xa5: {  	s26 =	simm.s32 $execute0_lowered;
	[smem:$0x3FD2] =	sst s25  }
0xa6: {  	s5 =	sshll.u32 s26, $0x1;
	_ =	strace $0x80000046;
	[dreg:$0x1] =	wrdreg $0xFFFFFFFF  }
0xa7: {  	s28 =	simm.s32 $_size_execute0_lowered;
	s3 =	sadd.s32 s3, s5;
	[dreg:$0x0] =	wrdreg $0x0  }
0xa8: {  	s5 =	sshll.u32 s28, $0x1;
	[dreg:$0x2] =	wrdreg s3  }
0xa9: {  	[dreg:$0x3] =	wrdreg s5  }
0xaa: {  	[dreg:$0x4] =	wrdreg $0xC0  }
0xab: {  	_ =	task [dreg:s7], $0x5FFFF  }
0xac: {  	[dreg:$0x1] =	wrdreg $0xFFFFFFFF  }
0xad: {  	[dreg:$0x0] =	wrdreg $0x60  }
0xae: {  	[dreg:$0x2] =	wrdreg s24  }
0xaf: {  	[dreg:$0x3] =	wrdreg s2  }
0xb0: {  	[dreg:$0x4] =	wrdreg $0x9  }
0xb1: {  	_ =	task.clear_ibuf [dreg:s7], $0x5FFFF;
	_ =	strace $0x90000046  }
0xb2: {  	s29 =	simm.s32 $0x9;
	_ =	strace $0x80000048  }
0xb3: {  	_ =	swait.ge [sflag:s29], $0x1  }
0xb4: {  	[sflag:s29] =	ssyncadd.s32 $0xFFFFFFFF  }
0xb5: {  	_ =	strace $0x90000048  }
0xb6: {  	_ =	sfence  }
0xb7: {  	s30 =	sld [smem:$0x0];
	_ =	sdelay $0x2  }
0xb8: {  	s31 =	sshll.u32 s1, $0xD;
	s1 =	sshrl.u32 s1, $0x2  }
0xb9: {  	s3 =	sand.u32 $0x4000, s31;
	s1 =	sadd.s32 s1, s30  }
0xba: {  	s0 =	sor.u32 s3, s0;
	s1 =	sshll.u32 s1, $0x11  }
0xbb: {  	s0 =	sor.u32 s1, s0  }
0xbc: {  	s0 =	sadd.s32 $0x8F2B, s0  }
0xbd: {  	[sflag:s0] =	ssyncadd.remote.s32 $0x1  }
0xbe: {  	_ =	sfence.sel $0xFFFF  }
0xbf: {  	[dreg:$0x0] =	wrdreg $0xFFFFFFFF;
	(pc) =	sbr.abs _section_cstart, $3  }
0xc0: {  	[dreg:$0x1] =	wrdreg $0xFFFFFFFF  }
0xc1: {  	_ =	task.clear_ibuf [dreg:s7], $0x2FFFF;
	_ =	strace $0x9FFFFFFF  }
0xc2: {  	(tm) =	ssettm $0x7FFFFFFF  }
0xc3: {  	_ =	shalt  }
tec
execute0_lowered:
.L_overlay_start_1:
0x0: {  	(tag) =	ssettag $0x1  }
0x1: {  	s0 =	rddreg [dreg:$0x0]  }
0x2: {  	s2 =	rddreg [dreg:$0x1]  }
0x3: {  	s1 =	srdreg.scid;
	s4 =	stileid.u32;
	s3 =	simm.s32 $0x0  }
0x4: {  	s12 =	simm.s32 $0x1000;
	s20 =	simm.s32 $0x9000;
	s10 =	simm.s32 $0x10000  }
0x5: {  	s11 =	simm.s32 $0x10800;
	s13 =	simm.s32 $0x5000;
	s15 =	simm.s32 $0x11000  }
0x6: {  	s25 =	simm.s32 $0x18800;
	s17 =	simm.s32 $0x3;
	s26 =	simm.s32 $0x80  }
0x7: {  	s21 =	simm.s32 $0x400;
	s28 =	simm.s32 $0x19000;
	s14 =	simm.s32 $0x1  }
0x8: {  	s29 =	simm.s32 $0x5;
	s22 =	simm.s32 $0x4;
	s30 =	simm.s32 $0x19B00  }
0x9: {  	s18 =	simm.s32 $0x2;
	s1 =	sand.u32 $0x1, s1;
	s4 =	sshll.u32 s4, $0x6  }
0xa: {  	[smem:$0x7FF] =	sst s3;
	s5 =	sshll.u32 s1, $0x5;
	s1 =	ssub.s32 $0x2, s1  }
0xb: {  	s6 =	sadd.s32 $0x9200, s0;
	s4 =	sor.u32 s5, s4;
	s9 =	sshrl.u32 s1, $0x1  }
0xc: {  	s7 =	sadd.s32 $0x1CC00, s0;
	s5 =	sshll.u32 s4, $0x4;
	s1 =	ssub.s32 s1, s9  }
0xd: {  	v2 =	vlaneseq.u32;
	_ =	strace $0x80000047;
	s8 =	sadd.s32 s5, s0;
	s31 =	smax.u32 s1, $0x1  }
0xe: {  	vm0 =	vmmov $0xffff;
	v1 =	vshrl.u32 v2, $0x3;
	s9 =	sadd.s32 $0x9300, s0;
	s8 =	sadd.s32 $0x18C00, s8;
	[dreg:$0x4] =	wrdreg s31  }
0xf: {  	v0 =	vand.u32 $0x7, v2;
	v2 =	vor.u32 $0x8, v2;
	v1 =	vmul.u32 $0x8, v1;
	s5 =	sadd.s32 $0x1400, s0;
	[dreg:$0x3] =	wrdreg s8;
	s8 =	simm.s32 $0x0  }
.LBB2_1:
0x10: {  	[dreg:$0x5] =	wrdreg s8  }
0x11: {  	s0 =	rddreg [dreg:$0x3];
	s19 =	simm.s32 $0x9  }
0x12: {  	[tilespmem:s3], [sflag:$0x9] =	stream.linear.gather [hbm4b:s0+s3], $0x1000, $0x38;
	[tilespmem:$0x1A600] =	vst v63  }
0x13: {  	_ =	swait.ge [sflag:s19], $0x1000  }
0x14: {  	[sflag:s19] =	ssyncset.done $0x0  }
0x15: {  	[sflag:s19] =	ssyncadd.s32 $0xFFFFF000  }
0x16: {  	v3 =	vld [tilespmem:$0x0];
	_ =	sdelay $0x4  }
0x17: {  	v4 =	vshll.u32 v3, $0x1  }
0x18: {  	v3 =	vand.u32 $0x7, v3;
	v4 =	vand.u32 $0xFFFFFFF0, v4  }
0x19: {  	v3 =	vor.u32 v3, v4  }
0x1a: {  	v4 =	vperm.xlane v3, v0;
	_ =	sdelay $0x1  }
0x1b: {  	v3 =	vperm.xlane v3, v2;
	v4 =	vadd.s32 v1, v4;
	_ =	sdelay $0x1  }
0x1c: {  	v3 =	vadd.s32 v1, v3;
	_ =	sdelay $0x2  }
0x1d: {  	[tilespmem:s12], [sflag:$0x1] =	stream.indirect_vreg.gather [hbm4b:s5+s3], $0x80, v4, vm0, $0xb8;
	[tilespmem:$0x1A600] =	vst v63  }
0x1e: {  	s23 =	simm.s32 $0x1800  }
0x1f: {  	[tilespmem:s23], [sflag:$0x1] =	stream.indirect_vreg.gather [hbm4b:s5+s3], $0x80, v3, vm0, $0xb8;
	[tilespmem:$0x1A600] =	vst v63  }
0x20: {  	v3 =	vld [tilespmem:$0x10];
	_ =	sdelay $0x4  }
0x21: {  	v57 =	vshll.u32 v3, $0x1  }
0x22: {  	v3 =	vand.u32 $0x7, v3;
	v4 =	vand.u32 $0xFFFFFFF0, v57  }
0x23: {  	v3 =	vor.u32 v3, v4  }
0x24: {  	v4 =	vperm.xlane v3, v0;
	_ =	sdelay $0x1  }
0x25: {  	v3 =	vperm.xlane v3, v2;
	v4 =	vadd.s32 v1, v4;
	_ =	sdelay $0x1  }
0x26: {  	v3 =	vadd.s32 v1, v3;
	_ =	sdelay $0x1  }
0x27: {  	s24 =	simm.s32 $0x2000  }
0x28: {  	[tilespmem:s24], [sflag:$0x1] =	stream.indirect_vreg.gather [hbm4b:s5+s3], $0x80, v4, vm0, $0xb8;
	[tilespmem:$0x1A600] =	vst v63  }
0x29: {  	s1 =	simm.s32 $0x2800  }
0x2a: {  	[tilespmem:s1], [sflag:$0x1] =	stream.indirect_vreg.gather [hbm4b:s5+s3], $0x80, v3, vm0, $0xb8;
	[tilespmem:$0x1A600] =	vst v63  }
0x2b: {  	v3 =	vld [tilespmem:$0x20];
	_ =	sdelay $0x4  }
0x2c: {  	v58 =	vshll.u32 v3, $0x1  }
0x2d: {  	v3 =	vand.u32 $0x7, v3;
	v4 =	vand.u32 $0xFFFFFFF0, v58  }
0x2e: {  	v3 =	vor.u32 v3, v4  }
0x2f: {  	v4 =	vperm.xlane v3, v0;
	_ =	sdelay $0x1  }
0x30: {  	v3 =	vperm.xlane v3, v2;
	v4 =	vadd.s32 v1, v4;
	_ =	sdelay $0x1  }
0x31: {  	v3 =	vadd.s32 v1, v3;
	_ =	sdelay $0x1  }
0x32: {  	s8 =	simm.s32 $0x3000  }
0x33: {  	[tilespmem:s8], [sflag:$0x1] =	stream.indirect_vreg.gather [hbm4b:s5+s3], $0x80, v4, vm0, $0xb8;
	[tilespmem:$0x1A600] =	vst v63  }
0x34: {  	s16 =	simm.s32 $0x3800  }
0x35: {  	[tilespmem:s16], [sflag:$0x1] =	stream.indirect_vreg.gather [hbm4b:s5+s3], $0x80, v3, vm0, $0xb8;
	[tilespmem:$0x1A600] =	vst v63  }
0x36: {  	v3 =	vld [tilespmem:$0x30];
	_ =	sdelay $0x4  }
0x37: {  	v59 =	vshll.u32 v3, $0x1  }
0x38: {  	v3 =	vand.u32 $0x7, v3;
	v4 =	vand.u32 $0xFFFFFFF0, v59  }
0x39: {  	v3 =	vor.u32 v3, v4  }
0x3a: {  	v4 =	vperm.xlane v3, v0;
	_ =	sdelay $0x1  }
0x3b: {  	v3 =	vperm.xlane v3, v2;
	v4 =	vadd.s32 v1, v4;
	_ =	sdelay $0x1  }
0x3c: {  	v3 =	vadd.s32 v1, v3;
	_ =	sdelay $0x1  }
0x3d: {  	s19 =	simm.s32 $0x4000  }
0x3e: {  	[tilespmem:s19], [sflag:$0x1] =	stream.indirect_vreg.gather [hbm4b:s5+s3], $0x80, v4, vm0, $0xb8;
	[tilespmem:$0x1A600] =	vst v63  }
0x3f: {  	s23 =	simm.s32 $0x4800  }
0x40: {  	[tilespmem:s23], [sflag:$0x1] =	stream.indirect_vreg.gather [hbm4b:s5+s3], $0x80, v3, vm0, $0xb8;
	[tilespmem:$0x1A600] =	vst v63  }
0x41: {  	v3 =	vld [tilespmem:$0x0];
	_ =	sdelay $0x4  }
0x42: {  	v60 =	vshll.u32 v3, $0x2  }
0x43: {  	v3 =	vand.u32 $0x7, v3;
	v4 =	vand.u32 $0xFFFFFFE0, v60  }
0x44: {  	v3 =	vor.u32 v3, v4  }
0x45: {  	v4 =	vperm.xlane v3, v0;
	_ =	sdelay $0x1  }
0x46: {  	v4 =	vadd.s32 v1, v4;
	_ =	sdelay $0x1  }
0x47: {  	v3 =	vperm.xlane v3, v2;
	_ =	sdelay $0x1  }
0x48: {  	v3 =	vadd.s32 v1, v3  }
0x49: {  	[tilespmem:s20], [sflag:$0x3] =	stream.indirect_vreg.gather [hbm4b:s6+s3], $0x80, v4, vm0, $0xb8;
	[tilespmem:$0x1A600] =	vst v63  }
0x4a: {  	s24 =	simm.s32 $0x9800  }
0x4b: {  	[tilespmem:s24], [sflag:$0x3] =	stream.indirect_vreg.gather [hbm4b:s9+s3], $0x80, v4, vm0, $0xb8;
	[tilespmem:$0x1A600] =	vst v63  }
0x4c: {  	s1 =	simm.s32 $0xA000  }
0x4d: {  	[tilespmem:s1], [sflag:$0x3] =	stream.indirect_vreg.gather [hbm4b:s6+s3], $0x80, v3, vm0, $0xb8;
	[tilespmem:$0x1A600] =	vst v63  }
0x4e: {  	s8 =	simm.s32 $0xA800  }
0x4f: {  	[tilespmem:s8], [sflag:$0x3] =	stream.indirect_vreg.gather [hbm4b:s9+s3], $0x80, v3, vm0, $0xb8;
	[tilespmem:$0x1A600] =	vst v63  }
0x50: {  	v3 =	vld [tilespmem:$0x10];
	_ =	sdelay $0x4  }
0x51: {  	v61 =	vshll.u32 v3, $0x2  }
0x52: {  	v3 =	vand.u32 $0x7, v3;
	v4 =	vand.u32 $0xFFFFFFE0, v61  }
0x53: {  	v3 =	vor.u32 v3, v4  }
0x54: {  	v4 =	vperm.xlane v3, v0;
	_ =	sdelay $0x1  }
0x55: {  	v4 =	vadd.s32 v1, v4;
	_ =	sdelay $0x1  }
0x56: {  	v3 =	vperm.xlane v3, v2;
	_ =	sdelay $0x1  }
0x57: {  	s16 =	simm.s32 $0xB000;
	v3 =	vadd.s32 v1, v3  }
0x58: {  	[tilespmem:s16], [sflag:$0x3] =	stream.indirect_vreg.gather [hbm4b:s6+s3], $0x80, v4, vm0, $0xb8;
	[tilespmem:$0x1A600] =	vst v63  }
0x59: {  	s19 =	simm.s32 $0xB800  }
0x5a: {  	[tilespmem:s19], [sflag:$0x3] =	stream.indirect_vreg.gather [hbm4b:s9+s3], $0x80, v4, vm0, $0xb8;
	[tilespmem:$0x1A600] =	vst v63  }
0x5b: {  	s23 =	simm.s32 $0xC000  }
0x5c: {  	[tilespmem:s23], [sflag:$0x3] =	stream.indirect_vreg.gather [hbm4b:s6+s3], $0x80, v3, vm0, $0xb8;
	[tilespmem:$0x1A600] =	vst v63  }
0x5d: {  	s24 =	simm.s32 $0xC800  }
0x5e: {  	[tilespmem:s24], [sflag:$0x3] =	stream.indirect_vreg.gather [hbm4b:s9+s3], $0x80, v3, vm0, $0xb8;
	[tilespmem:$0x1A600] =	vst v63  }
0x5f: {  	v3 =	vld [tilespmem:$0x20];
	_ =	sdelay $0x4  }
0x60: {  	v62 =	vshll.u32 v3, $0x2  }
0x61: {  	v3 =	vand.u32 $0x7, v3;
	v4 =	vand.u32 $0xFFFFFFE0, v62  }
0x62: {  	v3 =	vor.u32 v3, v4  }
0x63: {  	v4 =	vperm.xlane v3, v0;
	_ =	sdelay $0x1  }
0x64: {  	v4 =	vadd.s32 v1, v4;
	_ =	sdelay $0x1  }
0x65: {  	v3 =	vperm.xlane v3, v2;
	_ =	sdelay $0x1  }
0x66: {  	s1 =	simm.s32 $0xD000;
	v3 =	vadd.s32 v1, v3  }
0x67: {  	[tilespmem:s1], [sflag:$0x3] =	stream.indirect_vreg.gather [hbm4b:s6+s3], $0x80, v4, vm0, $0xb8;
	[tilespmem:$0x1A600] =	vst v63  }
0x68: {  	s8 =	simm.s32 $0xD800  }
0x69: {  	[tilespmem:s8], [sflag:$0x3] =	stream.indirect_vreg.gather [hbm4b:s9+s3], $0x80, v4, vm0, $0xb8;
	[tilespmem:$0x1A600] =	vst v63  }
0x6a: {  	s16 =	simm.s32 $0xE000  }
0x6b: {  	[tilespmem:s16], [sflag:$0x3] =	stream.indirect_vreg.gather [hbm4b:s6+s3], $0x80, v3, vm0, $0xb8;
	[tilespmem:$0x1A600] =	vst v63  }
0x6c: {  	s19 =	simm.s32 $0xE800  }
0x6d: {  	[tilespmem:s19], [sflag:$0x3] =	stream.indirect_vreg.gather [hbm4b:s9+s3], $0x80, v3, vm0, $0xb8;
	[tilespmem:$0x1A600] =	vst v63  }
0x6e: {  	v3 =	vld [tilespmem:$0x30];
	_ =	sdelay $0x4  }
0x6f: {  	v63 =	vshll.u32 v3, $0x2  }
0x70: {  	v3 =	vand.u32 $0x7, v3;
	v4 =	vand.u32 $0xFFFFFFE0, v63  }
0x71: {  	v3 =	vor.u32 v3, v4  }
0x72: {  	v4 =	vperm.xlane v3, v0;
	_ =	sdelay $0x1  }
0x73: {  	v4 =	vadd.s32 v1, v4;
	_ =	sdelay $0x1  }
0x74: {  	v3 =	vperm.xlane v3, v2;
	_ =	sdelay $0x1  }
0x75: {  	s23 =	simm.s32 $0xF000;
	v3 =	vadd.s32 v1, v3  }
0x76: {  	[tilespmem:s23], [sflag:$0x3] =	stream.indirect_vreg.gather [hbm4b:s6+s3], $0x80, v4, vm0, $0xb8;
	[tilespmem:$0x1A600] =	vst v63  }
0x77: {  	s24 =	simm.s32 $0xF800  }
0x78: {  	[tilespmem:s24], [sflag:$0x3] =	stream.indirect_vreg.gather [hbm4b:s9+s3], $0x80, v4, vm0, $0xb8;
	[tilespmem:$0x1A600] =	vst v63  }
0x79: {  	_ = 	snop  }
0x7a: {  	[tilespmem:s10], [sflag:$0x3] =	stream.indirect_vreg.gather [hbm4b:s6+s3], $0x80, v3, vm0, $0xb8;
	[tilespmem:$0x1A600] =	vst v63  }
0x7b: {  	s31 =	simm.s32 $0x0  }
0x7c: {  	[tilespmem:s11], [sflag:$0x3] =	stream.indirect_vreg.gather [hbm4b:s9+s3], $0x80, v3, vm0, $0xb8;
	[tilespmem:$0x1A600] =	vst v63  }
.LBB2_2:
0x7d: {  	p0 =	seq.s32 s31, $0x0  }
0x7e: {  	s1 =	simm.s32 @!p0 $0x6  }
0x7f: {  	s0 =	sshllo.u32 s31, $0x1;
	_ =	swait.ge @!p0 [sflag:s1], $0x3800  }
0x80: {  	s23 =	sshll.u32 s0, $0x7;
	[sflag:s1] =	ssyncset.done @!p0 $0x0  }
0x81: {  	[sflag:s1] =	ssyncadd.s32 @!p0 $0xFFFFC800;
	s1 =	sand.u32 $0x3FFFFF80, s23  }
0x82: {  	v3 =	vld [tilespmem:s1+$0x0];
	_ =	sdelay $0x4  }
0x83: {  	v4 =	vshll.u32 v3, $0x1  }
0x84: {  	v3 =	vand.u32 $0x7, v3;
	v4 =	vand.u32 $0xFFFFFFF0, v4  }
0x85: {  	v3 =	vor.u32 v3, v4  }
0x86: {  	v4 =	vperm.xlane v3, v0;
	_ =	sdelay $0x1  }
0x87: {  	v3 =	vperm.xlane v3, v2;
	v4 =	vadd.s32 v1, v4;
	_ =	sdelay $0x1  }
0x88: {  	v3 =	vadd.s32 v1, v3;
	_ =	sdelay $0x2  }
0x89: {  	[tilespmem:s13], [sflag:$0x2] =	stream.indirect_vreg.gather [hbm4b:s5+s3], $0x80, v4, vm0, $0xb8;
	[tilespmem:$0x1A600] =	vst v63  }
0x8a: {  	s8 =	simm.s32 $0x5800  }
0x8b: {  	[tilespmem:s8], [sflag:$0x2] =	stream.indirect_vreg.gather [hbm4b:s5+s3], $0x80, v3, vm0, $0xb8;
	[tilespmem:$0x1A600] =	vst v63  }
0x8c: {  	v3 =	vld [tilespmem:s1+$0x10];
	_ =	sdelay $0x4  }
0x8d: {  	v4 =	vshll.u32 v3, $0x1  }
0x8e: {  	v3 =	vand.u32 $0x7, v3;
	v4 =	vand.u32 $0xFFFFFFF0, v4  }
0x8f: {  	v3 =	vor.u32 v3, v4  }
0x90: {  	v4 =	vperm.xlane v3, v0;
	_ =	sdelay $0x1  }
0x91: {  	v3 =	vperm.xlane v3, v2;
	v4 =	vadd.s32 v1, v4;
	_ =	sdelay $0x1  }
0x92: {  	v3 =	vadd.s32 v1, v3;
	_ =	sdelay $0x1  }
0x93: {  	s19 =	simm.s32 $0x6000  }
0x94: {  	[tilespmem:s19], [sflag:$0x2] =	stream.indirect_vreg.gather [hbm4b:s5+s3], $0x80, v4, vm0, $0xb8;
	[tilespmem:$0x1A600] =	vst v63  }
0x95: {  	s24 =	simm.s32 $0x6800  }
0x96: {  	[tilespmem:s24], [sflag:$0x2] =	stream.indirect_vreg.gather [hbm4b:s5+s3], $0x80, v3, vm0, $0xb8;
	[tilespmem:$0x1A600] =	vst v63  }
0x97: {  	v3 =	vld [tilespmem:s1+$0x20];
	_ =	sdelay $0x4  }
0x98: {  	v4 =	vshll.u32 v3, $0x1  }
0x99: {  	v3 =	vand.u32 $0x7, v3;
	v4 =	vand.u32 $0xFFFFFFF0, v4  }
0x9a: {  	v3 =	vor.u32 v3, v4  }
0x9b: {  	v4 =	vperm.xlane v3, v0;
	_ =	sdelay $0x1  }
0x9c: {  	v3 =	vperm.xlane v3, v2;
	v4 =	vadd.s32 v1, v4;
	_ =	sdelay $0x1  }
0x9d: {  	v3 =	vadd.s32 v1, v3;
	_ =	sdelay $0x1  }
0x9e: {  	s16 =	simm.s32 $0x7000  }
0x9f: {  	[tilespmem:s16], [sflag:$0x2] =	stream.indirect_vreg.gather [hbm4b:s5+s3], $0x80, v4, vm0, $0xb8;
	[tilespmem:$0x1A600] =	vst v63  }
0xa0: {  	s19 =	simm.s32 $0x7800  }
0xa1: {  	[tilespmem:s19], [sflag:$0x2] =	stream.indirect_vreg.gather [hbm4b:s5+s3], $0x80, v3, vm0, $0xb8;
	[tilespmem:$0x1A600] =	vst v63  }
0xa2: {  	v3 =	vld [tilespmem:s1+$0x30];
	_ =	sdelay $0x4  }
0xa3: {  	v4 =	vshll.u32 v3, $0x1  }
0xa4: {  	v3 =	vand.u32 $0x7, v3;
	v4 =	vand.u32 $0xFFFFFFF0, v4  }
0xa5: {  	v3 =	vor.u32 v3, v4  }
0xa6: {  	v4 =	vperm.xlane v3, v0;
	_ =	sdelay $0x1  }
0xa7: {  	v3 =	vperm.xlane v3, v2;
	v4 =	vadd.s32 v1, v4;
	_ =	sdelay $0x1  }
0xa8: {  	v3 =	vadd.s32 v1, v3;
	_ =	sdelay $0x1  }
0xa9: {  	s24 =	simm.s32 $0x8000  }
0xaa: {  	[tilespmem:s24], [sflag:$0x2] =	stream.indirect_vreg.gather [hbm4b:s5+s3], $0x80, v4, vm0, $0xb8;
	[tilespmem:$0x1A600] =	vst v63  }
0xab: {  	s16 =	simm.s32 $0x8800  }
0xac: {  	[tilespmem:s16], [sflag:$0x2] =	stream.indirect_vreg.gather [hbm4b:s5+s3], $0x80, v3, vm0, $0xb8;
	[tilespmem:$0x1A600] =	vst v63  }
0xad: {  	v3 =	vld [tilespmem:s1+$0x0];
	_ =	sdelay $0x4  }
0xae: {  	v4 =	vshll.u32 v3, $0x2  }
0xaf: {  	v3 =	vand.u32 $0x7, v3;
	v4 =	vand.u32 $0xFFFFFFE0, v4  }
0xb0: {  	v3 =	vor.u32 v3, v4  }
0xb1: {  	v4 =	vperm.xlane v3, v0;
	_ =	sdelay $0x1  }
0xb2: {  	v4 =	vadd.s32 v1, v4;
	_ =	sdelay $0x1  }
0xb3: {  	v3 =	vperm.xlane v3, v2;
	_ =	sdelay $0x1  }
0xb4: {  	v3 =	vadd.s32 v1, v3  }
0xb5: {  	[tilespmem:s15], [sflag:$0x4] =	stream.indirect_vreg.gather [hbm4b:s6+s3], $0x80, v4, vm0, $0xb8;
	[tilespmem:$0x1A600] =	vst v63  }
0xb6: {  	s19 =	simm.s32 $0x11800  }
0xb7: {  	[tilespmem:s19], [sflag:$0x4] =	stream.indirect_vreg.gather [hbm4b:s9+s3], $0x80, v4, vm0, $0xb8;
	[tilespmem:$0x1A600] =	vst v63  }
0xb8: {  	s24 =	simm.s32 $0x12000  }
0xb9: {  	[tilespmem:s24], [sflag:$0x4] =	stream.indirect_vreg.gather [hbm4b:s6+s3], $0x80, v3, vm0, $0xb8;
	[tilespmem:$0x1A600] =	vst v63  }
0xba: {  	s16 =	simm.s32 $0x12800  }
0xbb: {  	[tilespmem:s16], [sflag:$0x4] =	stream.indirect_vreg.gather [hbm4b:s9+s3], $0x80, v3, vm0, $0xb8;
	[tilespmem:$0x1A600] =	vst v63  }
0xbc: {  	v3 =	vld [tilespmem:s1+$0x10];
	_ =	sdelay $0x4  }
0xbd: {  	v4 =	vshll.u32 v3, $0x2  }
0xbe: {  	v3 =	vand.u32 $0x7, v3;
	v4 =	vand.u32 $0xFFFFFFE0, v4  }
0xbf: {  	v3 =	vor.u32 v3, v4  }
0xc0: {  	v4 =	vperm.xlane v3, v0;
	_ =	sdelay $0x1  }
0xc1: {  	v4 =	vadd.s32 v1, v4;
	_ =	sdelay $0x1  }
0xc2: {  	v3 =	vperm.xlane v3, v2;
	_ =	sdelay $0x1  }
0xc3: {  	s19 =	simm.s32 $0x13000;
	v3 =	vadd.s32 v1, v3  }
0xc4: {  	[tilespmem:s19], [sflag:$0x4] =	stream.indirect_vreg.gather [hbm4b:s6+s3], $0x80, v4, vm0, $0xb8;
	[tilespmem:$0x1A600] =	vst v63  }
0xc5: {  	s24 =	simm.s32 $0x13800  }
0xc6: {  	[tilespmem:s24], [sflag:$0x4] =	stream.indirect_vreg.gather [hbm4b:s9+s3], $0x80, v4, vm0, $0xb8;
	[tilespmem:$0x1A600] =	vst v63  }
0xc7: {  	s16 =	simm.s32 $0x14000  }
0xc8: {  	[tilespmem:s16], [sflag:$0x4] =	stream.indirect_vreg.gather [hbm4b:s6+s3], $0x80, v3, vm0, $0xb8;
	[tilespmem:$0x1A600] =	vst v63  }
0xc9: {  	s19 =	simm.s32 $0x14800  }
0xca: {  	[tilespmem:s19], [sflag:$0x4] =	stream.indirect_vreg.gather [hbm4b:s9+s3], $0x80, v3, vm0, $0xb8;
	[tilespmem:$0x1A600] =	vst v63  }
0xcb: {  	v3 =	vld [tilespmem:s1+$0x20];
	_ =	sdelay $0x4  }
0xcc: {  	v4 =	vshll.u32 v3, $0x2  }
0xcd: {  	v3 =	vand.u32 $0x7, v3;
	v4 =	vand.u32 $0xFFFFFFE0, v4  }
0xce: {  	v3 =	vor.u32 v3, v4  }
0xcf: {  	v4 =	vperm.xlane v3, v0;
	_ =	sdelay $0x1  }
0xd0: {  	v4 =	vadd.s32 v1, v4;
	_ =	sdelay $0x1  }
0xd1: {  	v3 =	vperm.xlane v3, v2;
	_ =	sdelay $0x1  }
0xd2: {  	s24 =	simm.s32 $0x15000;
	v3 =	vadd.s32 v1, v3  }
0xd3: {  	[tilespmem:s24], [sflag:$0x4] =	stream.indirect_vreg.gather [hbm4b:s6+s3], $0x80, v4, vm0, $0xb8;
	[tilespmem:$0x1A600] =	vst v63  }
0xd4: {  	s16 =	simm.s32 $0x15800  }
0xd5: {  	[tilespmem:s16], [sflag:$0x4] =	stream.indirect_vreg.gather [hbm4b:s9+s3], $0x80, v4, vm0, $0xb8;
	[tilespmem:$0x1A600] =	vst v63  }
0xd6: {  	s19 =	simm.s32 $0x16000  }
0xd7: {  	[tilespmem:s19], [sflag:$0x4] =	stream.indirect_vreg.gather [hbm4b:s6+s3], $0x80, v3, vm0, $0xb8;
	[tilespmem:$0x1A600] =	vst v63  }
0xd8: {  	s24 =	simm.s32 $0x16800  }
0xd9: {  	[tilespmem:s24], [sflag:$0x4] =	stream.indirect_vreg.gather [hbm4b:s9+s3], $0x80, v3, vm0, $0xb8;
	[tilespmem:$0x1A600] =	vst v63  }
0xda: {  	v3 =	vld [tilespmem:s1+$0x30];
	_ =	sdelay $0x4  }
0xdb: {  	v4 =	vshll.u32 v3, $0x2  }
0xdc: {  	v3 =	vand.u32 $0x7, v3;
	v4 =	vand.u32 $0xFFFFFFE0, v4  }
0xdd: {  	v3 =	vor.u32 v3, v4  }
0xde: {  	v4 =	vperm.xlane v3, v0;
	_ =	sdelay $0x1  }
0xdf: {  	v4 =	vadd.s32 v1, v4;
	_ =	sdelay $0x1  }
0xe0: {  	v3 =	vperm.xlane v3, v2;
	_ =	sdelay $0x1  }
0xe1: {  	s8 =	simm.s32 $0x17000;
	v3 =	vadd.s32 v1, v3  }
0xe2: {  	[tilespmem:s8], [sflag:$0x4] =	stream.indirect_vreg.gather [hbm4b:s6+s3], $0x80, v4, vm0, $0xb8;
	[tilespmem:$0x1A600] =	vst v63  }
0xe3: {  	s16 =	simm.s32 $0x17800  }
0xe4: {  	[tilespmem:s16], [sflag:$0x4] =	stream.indirect_vreg.gather [hbm4b:s9+s3], $0x80, v4, vm0, $0xb8;
	[tilespmem:$0x1A600] =	vst v63  }
0xe5: {  	s19 =	simm.s32 $0x18000  }
0xe6: {  	[tilespmem:s19], [sflag:$0x4] =	stream.indirect_vreg.gather [hbm4b:s6+s3], $0x80, v3, vm0, $0xb8;
	[tilespmem:$0x1A600] =	vst v63  }
0xe7: {  	s1 =	simm.s32 @!p0 $0x7  }
0xe8: {  	[tilespmem:s25], [sflag:$0x4] =	stream.indirect_vreg.gather [hbm4b:s9+s3], $0x80, v3, vm0, $0xb8;
	[tilespmem:$0x1A600] =	vst v63  }
0xe9: {  	_ =	swait.ge @!p0 [sflag:s1], $0xB00  }
0xea: {  	[sflag:s1] =	ssyncset.done @!p0 $0x0  }
0xeb: {  	[sflag:s1] =	ssyncadd.s32 @!p0 $0xFFFFF500  }
0xec: {  	_ =	swait.ge [sflag:s17], $0x8000  }
0xed: {  	[sflag:s17] =	ssyncset.done $0x0  }
0xee: {  	s16 =	sshll.u32 s31, $0x8;
	[sflag:s17] =	ssyncadd.s32 $0xFFFF8000  }
0xef: {  	v5 =	vld [tilespmem:s16+$0x0];
	_ =	sdelay $0x4  }
0xf0: {  	s24 =	simm.s32 $0x0;
	v3 =	vshra.s32 v5, $0x1  }
0xf1: {  	v6 =	vmov s24;
	v4 =	vshll.u32 v3, $0x3  }
0xf2: {  	v7 =	vshll.u32 v6, $0x9;
	v3 =	vand.u32 $0x7F, v3;
	v4 =	vand.u32 $0xFFFFFC00, v4  }
0xf3: {  	v7 =	vand.u32 $0x7000, v7;
	v8 =	vld [tilespmem:s16+$0x10];
	v3 =	vor.u32 v3, v4;
	v4 =	vshll.u32 v6, $0x7  }
0xf4: {  	v9 =	vand.u32 $0x380, v4;
	v4 =	vadd.s32 v3, v7  }
0xf5: {  	v4 =	vor.u32 v9, v4;
	_ =	sdelay $0x2  }
0xf6: {  	v6 =	vshra.s32 v8, $0x1  }
0xf7: {  	v10 =	vshll.u32 v6, $0x3  }
0xf8: {  	v6 =	vand.u32 $0x7F, v6;
	v10 =	vand.u32 $0xFFFFFC00, v10;
	v11 =	vld.idx.msk [tilespmem:v4+s20+$0x0], $0xffff  }
0xf9: {  	v12 =	vld [tilespmem:s16+$0x20];
	v4 =	vor.u32 v6, v10  }
0xfa: {  	v6 =	vadd.s32 v4, v7  }
0xfb: {  	v6 =	vor.u32 v9, v6  }
0xfc: {  	v5 =	vand.u32 $0x1, v5  }
0xfd: {  	vm1 =	veq.s32 v5, $0x0;
	v5 =	vshll.u32 v11, $0x10;
	v10 =	vand.u32 $0xFFFF0000, v11  }
0xfe: {  	s24 =	simm.s32 $0x19020;
	v5 =	vsel vm1, v5, v10;
	v10 =	vshra.s32 v12, $0x1  }
0xff: {  	v11 =	vld [tilespmem:s16+$0x28];
	[tilespmem:s24+$0xFFFFFFE0] =	vst v5;
	v5 =	vshll.u32 v10, $0x3  }
0x100: {  	v10 =	vand.u32 $0x7F, v10;
	v5 =	vand.u32 $0xFFFFFC00, v5;
	v6 =	vld.idx.msk [tilespmem:v6+s20+$0x0], $0xffff  }
0x101: {  	v5 =	vor.u32 v10, v5  }
0x102: {  	v10 =	vadd.s32 v5, v7  }
0x103: {  	v10 =	vor.u32 v9, v10  }
0x104: {  	v8 =	vand.u32 $0x1, v8  }
0x105: {  	vm2 =	veq.s32 v8, $0x0;
	v8 =	vshll.u32 v6, $0x10;
	v6 =	vand.u32 $0xFFFF0000, v6  }
0x106: {  	v6 =	vsel vm2, v8, v6;
	v8 =	vshra.s32 v11, $0x1  }
0x107: {  	[tilespmem:s24+$0xFFFFFFF0] =	vst v6;
	v6 =	vshll.u32 v8, $0x3  }
0x108: {  	v8 =	vand.u32 $0x7F, v8;
	v6 =	vand.u32 $0xFFFFFC00, v6;
	v10 =	vld.idx.msk [tilespmem:v10+s20+$0x0], $0xffff  }
0x109: {  	v6 =	vor.u32 v8, v6  }
0x10a: {  	v7 =	vadd.s32 v6, v7  }
0x10b: {  	v7 =	vor.u32 v9, v7  }
0x10c: {  	v8 =	vand.u32 $0x1, v12  }
0x10d: {  	vm4 =	veq.s32 v8, $0x0;
	v8 =	vshll.u32 v10, $0x10;
	v9 =	vand.u32 $0xFFFF0000, v10  }
0x10e: {  	v8 =	vsel vm4, v8, v9  }
0x10f: {  	s19 =	simm.s32 $0x1;
	s1 =	sshll.u32 s31, $0x1;
	v9 =	vand.u32 $0x1, v11;
	[tilespmem:s24+$0x0] =	vst v8  }
0x110: {  	s8 =	sor.u32 s4, s1;
	vm3 =	veq.s32 v9, $0x0;
	v8 =	vmov s19;
	s19 =	simm.s32 $0x2;
	v7 =	vld.idx.msk [tilespmem:v7+s20+$0x0], $0xffff  }
.LBB2_3:
0x111: {  	p1 =	sne.s32 s19, $0x31;
	v9 =	vshll.u32 v8, $0x9  }
0x112: {  	v8 =	vshll.u32 v8, $0x7;
	v9 =	vand.u32 $0x7000, v9  }
0x113: {  	v8 =	vand.u32 $0x380, v8;
	v10 =	vadd.s32 v3, v9  }
0x114: {  	v10 =	vor.u32 v8, v10;
	_ =	sdelay $0x1  }
0x115: {  	v11 =	vshll.u32 v7, $0x10;
	v7 =	vand.u32 $0xFFFF0000, v7  }
0x116: {  	v7 =	vsel vm3, v11, v7  }
0x117: {  	[tilespmem:s24+$0x8] =	vst v7  }
0x118: {  	v7 =	vld.idx.msk [tilespmem:v10+s20+$0x0], $0xffff;
	_ =	sdelay $0x2  }
0x119: {  	v10 =	vadd.s32 v4, v9  }
0x11a: {  	v10 =	vor.u32 v8, v10;
	_ =	sdelay $0x1  }
0x11b: {  	v11 =	vshll.u32 v7, $0x10;
	v7 =	vand.u32 $0xFFFF0000, v7  }
0x11c: {  	s24 =	sadd.s32 $0x38, s24;
	v7 =	vsel vm1, v11, v7  }
0x11d: {  	[tilespmem:s24+$0xFFFFFFE0] =	vst v7  }
0x11e: {  	v7 =	vld.idx.msk [tilespmem:v10+s20+$0x0], $0xffff;
	_ =	sdelay $0x2  }
0x11f: {  	v10 =	vadd.s32 v5, v9  }
0x120: {  	v10 =	vor.u32 v8, v10;
	_ =	sdelay $0x1  }
0x121: {  	v11 =	vshll.u32 v7, $0x10;
	v7 =	vand.u32 $0xFFFF0000, v7  }
0x122: {  	v7 =	vsel vm2, v11, v7  }
0x123: {  	[tilespmem:s24+$0xFFFFFFF0] =	vst v7  }
0x124: {  	v7 =	vld.idx.msk [tilespmem:v10+s20+$0x0], $0xffff;
	_ =	sdelay $0x2  }
0x125: {  	v9 =	vadd.s32 v6, v9  }
0x126: {  	v9 =	vor.u32 v8, v9  }
.Ltmp0:
0x127: {  	(pc) =	sbr.rel @p1 .LBB2_3-.Ltmp0, $4  }
0x128: {  	v8 =	vshll.u32 v7, $0x10;
	v7 =	vand.u32 $0xFFFF0000, v7  }
0x129: {  	v7 =	vsel vm4, v8, v7  }
0x12a: {  	[tilespmem:s24+$0x0] =	vst v7  }
0x12b: {  	v8 =	vmov s19;
	s19 =	sadd.s32 $0x1, s19;
	v7 =	vld.idx.msk [tilespmem:v9+s20+$0x0], $0xffff  }
0x12c: {  	v9 =	vshll.u32 v8, $0x9  }
0x12d: {  	v8 =	vshll.u32 v8, $0x7;
	v9 =	vand.u32 $0x7000, v9  }
0x12e: {  	v8 =	vand.u32 $0x380, v8;
	v3 =	vadd.s32 v3, v9  }
0x12f: {  	v3 =	vor.u32 v8, v3;
	_ =	sdelay $0x1  }
0x130: {  	v10 =	vshll.u32 v7, $0x10;
	v7 =	vand.u32 $0xFFFF0000, v7  }
0x131: {  	v7 =	vsel vm3, v10, v7  }
0x132: {  	[tilespmem:s24+$0x8] =	vst v7  }
0x133: {  	v3 =	vld.idx.msk [tilespmem:v3+s20+$0x0], $0xffff;
	_ =	sdelay $0x1  }
0x134: {  	v4 =	vadd.s32 v4, v9  }
0x135: {  	v4 =	vor.u32 v8, v4;
	_ =	sdelay $0x1  }
0x136: {  	v7 =	vshll.u32 v3, $0x10;
	v3 =	vand.u32 $0xFFFF0000, v3  }
0x137: {  	s19 =	sadd.s32 $0x38, s24;
	v3 =	vsel vm1, v7, v3  }
0x138: {  	[tilespmem:s19+$0xFFFFFFE0] =	vst v3  }
0x139: {  	v3 =	vld.idx.msk [tilespmem:v4+s20+$0x0], $0xffff;
	_ =	sdelay $0x1  }
0x13a: {  	v4 =	vadd.s32 v5, v9  }
0x13b: {  	v4 =	vor.u32 v8, v4;
	_ =	sdelay $0x1  }
0x13c: {  	v5 =	vshll.u32 v3, $0x10;
	v3 =	vand.u32 $0xFFFF0000, v3  }
0x13d: {  	v3 =	vsel vm2, v5, v3  }
0x13e: {  	[tilespmem:s19+$0xFFFFFFF0] =	vst v3  }
0x13f: {  	v3 =	vld.idx.msk [tilespmem:v4+s20+$0x0], $0xffff;
	_ =	sdelay $0x1  }
0x140: {  	v4 =	vadd.s32 v6, v9  }
0x141: {  	v4 =	vor.u32 v8, v4;
	_ =	sdelay $0x1  }
0x142: {  	v5 =	vshll.u32 v3, $0x10;
	v3 =	vand.u32 $0xFFFF0000, v3  }
0x143: {  	v3 =	vsel vm4, v5, v3  }
0x144: {  	[tilespmem:s19+$0x0] =	vst v3  }
0x145: {  	v3 =	vld.idx.msk [tilespmem:v4+s20+$0x0], $0xffff;
	_ =	sdelay $0x1  }
0x146: {  	s24 =	sshrl.u32 s8, $0x3  }
0x147: {  	s24 =	smul.u32 $0x5800, s24  }
0x148: {  	s16 =	sand.u32 $0x300, s16  }
0x149: {  	s16 =	sor.u32 s16, s24;
	v4 =	vshll.u32 v3, $0x10;
	v3 =	vand.u32 $0xFFFF0000, v3  }
0x14a: {  	s16 =	sshrl.u32 s16, $0x3;
	v3 =	vsel vm3, v4, v3  }
0x14b: {  	s16 =	sadd.s32 s2, s16;
	[tilespmem:s19+$0x8] =	vst v3  }
0x14c: {  	[hbm4b:s16+s26] =	stream.strided.scatter [tilespmem:s28], [sflag:$0x7], $0xB00, s21, s26, $0x38;
	[tilespmem:$0x1A600] =	vst v63  }
0x14d: {  	s24 =	smul.u32 $0x700, s8;
	_ =	swait.ge [sflag:s14], $0x4000  }
0x14e: {  	[sflag:s14] =	ssyncset.done $0x0  }
0x14f: {  	s8 =	sadd.s32 s7, s24;
	[sflag:s14] =	ssyncadd.s32 $0xFFFFC000  }
0x150: {  	[hbm4b:s8+s3] =	stream.linear.scatter [tilespmem:s12], [sflag:$0x5], $0x3800, $0x38;
	[tilespmem:$0x1A600] =	vst v63  }
0x151: {  	_ =	swait.ge [sflag:s29], $0x3800  }
0x152: {  	s1 =	smin.u32 s1, $0x1D;
	[sflag:s29] =	ssyncset.done $0x0  }
0x153: {  	s1 =	sshll.u32 s1, $0x7;
	[sflag:s29] =	ssyncadd.s32 $0xFFFFC800  }
0x154: {  	v3 =	vld [tilespmem:s1+$0x100];
	_ =	sdelay $0x4  }
0x155: {  	v4 =	vshll.u32 v3, $0x1  }
0x156: {  	v3 =	vand.u32 $0x7, v3;
	v4 =	vand.u32 $0xFFFFFFF0, v4  }
0x157: {  	v3 =	vor.u32 v3, v4  }
0x158: {  	v4 =	vperm.xlane v3, v0;
	_ =	sdelay $0x1  }
0x159: {  	v3 =	vperm.xlane v3, v2;
	v4 =	vadd.s32 v1, v4;
	_ =	sdelay $0x1  }
0x15a: {  	v3 =	vadd.s32 v1, v3;
	_ =	sdelay $0x2  }
0x15b: {  	[tilespmem:s12], [sflag:$0x1] =	stream.indirect_vreg.gather [hbm4b:s5+s3], $0x80, v4, vm0, $0xb8;
	[tilespmem:$0x1A600] =	vst v63  }
0x15c: {  	s16 =	simm.s32 $0x1800  }
0x15d: {  	[tilespmem:s16], [sflag:$0x1] =	stream.indirect_vreg.gather [hbm4b:s5+s3], $0x80, v3, vm0, $0xb8;
	[tilespmem:$0x1A600] =	vst v63  }
0x15e: {  	v3 =	vld [tilespmem:s1+$0x110];
	_ =	sdelay $0x4  }
0x15f: {  	v4 =	vshll.u32 v3, $0x1  }
0x160: {  	v3 =	vand.u32 $0x7, v3;
	v4 =	vand.u32 $0xFFFFFFF0, v4  }
0x161: {  	v3 =	vor.u32 v3, v4  }
0x162: {  	v4 =	vperm.xlane v3, v0;
	_ =	sdelay $0x1  }
0x163: {  	v3 =	vperm.xlane v3, v2;
	v4 =	vadd.s32 v1, v4;
	_ =	sdelay $0x1  }
0x164: {  	v3 =	vadd.s32 v1, v3;
	_ =	sdelay $0x1  }
0x165: {  	s19 =	simm.s32 $0x2000  }
0x166: {  	[tilespmem:s19], [sflag:$0x1] =	stream.indirect_vreg.gather [hbm4b:s5+s3], $0x80, v4, vm0, $0xb8;
	[tilespmem:$0x1A600] =	vst v63  }
0x167: {  	s24 =	simm.s32 $0x2800  }
0x168: {  	[tilespmem:s24], [sflag:$0x1] =	stream.indirect_vreg.gather [hbm4b:s5+s3], $0x80, v3, vm0, $0xb8;
	[tilespmem:$0x1A600] =	vst v63  }
0x169: {  	v3 =	vld [tilespmem:s1+$0x120];
	_ =	sdelay $0x4  }
0x16a: {  	v4 =	vshll.u32 v3, $0x1  }
0x16b: {  	v3 =	vand.u32 $0x7, v3;
	v4 =	vand.u32 $0xFFFFFFF0, v4  }
0x16c: {  	v3 =	vor.u32 v3, v4  }
0x16d: {  	v4 =	vperm.xlane v3, v0;
	_ =	sdelay $0x1  }
0x16e: {  	v3 =	vperm.xlane v3, v2;
	v4 =	vadd.s32 v1, v4;
	_ =	sdelay $0x1  }
0x16f: {  	v3 =	vadd.s32 v1, v3;
	_ =	sdelay $0x1  }
0x170: {  	s16 =	simm.s32 $0x3000  }
0x171: {  	[tilespmem:s16], [sflag:$0x1] =	stream.indirect_vreg.gather [hbm4b:s5+s3], $0x80, v4, vm0, $0xb8;
	[tilespmem:$0x1A600] =	vst v63  }
0x172: {  	s19 =	simm.s32 $0x3800  }
0x173: {  	[tilespmem:s19], [sflag:$0x1] =	stream.indirect_vreg.gather [hbm4b:s5+s3], $0x80, v3, vm0, $0xb8;
	[tilespmem:$0x1A600] =	vst v63  }
0x174: {  	v3 =	vld [tilespmem:s1+$0x130];
	_ =	sdelay $0x4  }
0x175: {  	v4 =	vshll.u32 v3, $0x1  }
0x176: {  	v3 =	vand.u32 $0x7, v3;
	v4 =	vand.u32 $0xFFFFFFF0, v4  }
0x177: {  	v3 =	vor.u32 v3, v4  }
0x178: {  	v4 =	vperm.xlane v3, v0;
	_ =	sdelay $0x1  }
0x179: {  	v3 =	vperm.xlane v3, v2;
	v4 =	vadd.s32 v1, v4;
	_ =	sdelay $0x1  }
0x17a: {  	v3 =	vadd.s32 v1, v3;
	_ =	sdelay $0x1  }
0x17b: {  	s24 =	simm.s32 $0x4000  }
0x17c: {  	[tilespmem:s24], [sflag:$0x1] =	stream.indirect_vreg.gather [hbm4b:s5+s3], $0x80, v4, vm0, $0xb8;
	[tilespmem:$0x1A600] =	vst v63  }
0x17d: {  	s16 =	simm.s32 $0x4800  }
0x17e: {  	[tilespmem:s16], [sflag:$0x1] =	stream.indirect_vreg.gather [hbm4b:s5+s3], $0x80, v3, vm0, $0xb8;
	[tilespmem:$0x1A600] =	vst v63  }
0x17f: {  	v3 =	vld [tilespmem:s1+$0x100];
	_ =	sdelay $0x4  }
0x180: {  	v4 =	vshll.u32 v3, $0x2  }
0x181: {  	v3 =	vand.u32 $0x7, v3;
	v4 =	vand.u32 $0xFFFFFFE0, v4  }
0x182: {  	v3 =	vor.u32 v3, v4  }
0x183: {  	v4 =	vperm.xlane v3, v0;
	_ =	sdelay $0x1  }
0x184: {  	v4 =	vadd.s32 v1, v4;
	_ =	sdelay $0x1  }
0x185: {  	v3 =	vperm.xlane v3, v2;
	_ =	sdelay $0x1  }
0x186: {  	v3 =	vadd.s32 v1, v3  }
0x187: {  	[tilespmem:s20], [sflag:$0x3] =	stream.indirect_vreg.gather [hbm4b:s6+s3], $0x80, v4, vm0, $0xb8;
	[tilespmem:$0x1A600] =	vst v63  }
0x188: {  	s19 =	simm.s32 $0x9800  }
0x189: {  	[tilespmem:s19], [sflag:$0x3] =	stream.indirect_vreg.gather [hbm4b:s9+s3], $0x80, v4, vm0, $0xb8;
	[tilespmem:$0x1A600] =	vst v63  }
0x18a: {  	s24 =	simm.s32 $0xA000  }
0x18b: {  	[tilespmem:s24], [sflag:$0x3] =	stream.indirect_vreg.gather [hbm4b:s6+s3], $0x80, v3, vm0, $0xb8;
	[tilespmem:$0x1A600] =	vst v63  }
0x18c: {  	s16 =	simm.s32 $0xA800  }
0x18d: {  	[tilespmem:s16], [sflag:$0x3] =	stream.indirect_vreg.gather [hbm4b:s9+s3], $0x80, v3, vm0, $0xb8;
	[tilespmem:$0x1A600] =	vst v63  }
0x18e: {  	v3 =	vld [tilespmem:s1+$0x110];
	_ =	sdelay $0x4  }
0x18f: {  	v4 =	vshll.u32 v3, $0x2  }
0x190: {  	v3 =	vand.u32 $0x7, v3;
	v4 =	vand.u32 $0xFFFFFFE0, v4  }
0x191: {  	v3 =	vor.u32 v3, v4  }
0x192: {  	v4 =	vperm.xlane v3, v0;
	_ =	sdelay $0x1  }
0x193: {  	v4 =	vadd.s32 v1, v4;
	_ =	sdelay $0x1  }
0x194: {  	v3 =	vperm.xlane v3, v2;
	_ =	sdelay $0x1  }
0x195: {  	s19 =	simm.s32 $0xB000;
	v3 =	vadd.s32 v1, v3  }
0x196: {  	[tilespmem:s19], [sflag:$0x3] =	stream.indirect_vreg.gather [hbm4b:s6+s3], $0x80, v4, vm0, $0xb8;
	[tilespmem:$0x1A600] =	vst v63  }
0x197: {  	s24 =	simm.s32 $0xB800  }
0x198: {  	[tilespmem:s24], [sflag:$0x3] =	stream.indirect_vreg.gather [hbm4b:s9+s3], $0x80, v4, vm0, $0xb8;
	[tilespmem:$0x1A600] =	vst v63  }
0x199: {  	s16 =	simm.s32 $0xC000  }
0x19a: {  	[tilespmem:s16], [sflag:$0x3] =	stream.indirect_vreg.gather [hbm4b:s6+s3], $0x80, v3, vm0, $0xb8;
	[tilespmem:$0x1A600] =	vst v63  }
0x19b: {  	s19 =	simm.s32 $0xC800  }
0x19c: {  	[tilespmem:s19], [sflag:$0x3] =	stream.indirect_vreg.gather [hbm4b:s9+s3], $0x80, v3, vm0, $0xb8;
	[tilespmem:$0x1A600] =	vst v63  }
0x19d: {  	v3 =	vld [tilespmem:s1+$0x120];
	_ =	sdelay $0x4  }
0x19e: {  	v4 =	vshll.u32 v3, $0x2  }
0x19f: {  	v3 =	vand.u32 $0x7, v3;
	v4 =	vand.u32 $0xFFFFFFE0, v4  }
0x1a0: {  	v3 =	vor.u32 v3, v4  }
0x1a1: {  	v4 =	vperm.xlane v3, v0;
	_ =	sdelay $0x1  }
0x1a2: {  	v4 =	vadd.s32 v1, v4;
	_ =	sdelay $0x1  }
0x1a3: {  	v3 =	vperm.xlane v3, v2;
	_ =	sdelay $0x1  }
0x1a4: {  	s24 =	simm.s32 $0xD000;
	v3 =	vadd.s32 v1, v3  }
0x1a5: {  	[tilespmem:s24], [sflag:$0x3] =	stream.indirect_vreg.gather [hbm4b:s6+s3], $0x80, v4, vm0, $0xb8;
	[tilespmem:$0x1A600] =	vst v63  }
0x1a6: {  	s16 =	simm.s32 $0xD800  }
0x1a7: {  	[tilespmem:s16], [sflag:$0x3] =	stream.indirect_vreg.gather [hbm4b:s9+s3], $0x80, v4, vm0, $0xb8;
	[tilespmem:$0x1A600] =	vst v63  }
0x1a8: {  	s19 =	simm.s32 $0xE000  }
0x1a9: {  	[tilespmem:s19], [sflag:$0x3] =	stream.indirect_vreg.gather [hbm4b:s6+s3], $0x80, v3, vm0, $0xb8;
	[tilespmem:$0x1A600] =	vst v63  }
0x1aa: {  	s24 =	simm.s32 $0xE800  }
0x1ab: {  	[tilespmem:s24], [sflag:$0x3] =	stream.indirect_vreg.gather [hbm4b:s9+s3], $0x80, v3, vm0, $0xb8;
	[tilespmem:$0x1A600] =	vst v63  }
0x1ac: {  	v3 =	vld [tilespmem:s1+$0x130];
	_ =	sdelay $0x4  }
0x1ad: {  	v4 =	vshll.u32 v3, $0x2  }
0x1ae: {  	v3 =	vand.u32 $0x7, v3;
	v4 =	vand.u32 $0xFFFFFFE0, v4  }
0x1af: {  	v3 =	vor.u32 v3, v4  }
0x1b0: {  	v4 =	vperm.xlane v3, v0;
	_ =	sdelay $0x1  }
0x1b1: {  	v4 =	vadd.s32 v1, v4;
	_ =	sdelay $0x1  }
0x1b2: {  	v3 =	vperm.xlane v3, v2;
	_ =	sdelay $0x1  }
0x1b3: {  	s8 =	simm.s32 $0xF000;
	v3 =	vadd.s32 v1, v3  }
0x1b4: {  	[tilespmem:s8], [sflag:$0x3] =	stream.indirect_vreg.gather [hbm4b:s6+s3], $0x80, v4, vm0, $0xb8;
	[tilespmem:$0x1A600] =	vst v63  }
0x1b5: {  	s16 =	simm.s32 $0xF800  }
0x1b6: {  	[tilespmem:s16], [sflag:$0x3] =	stream.indirect_vreg.gather [hbm4b:s9+s3], $0x80, v4, vm0, $0xb8;
	[tilespmem:$0x1A600] =	vst v63  }
0x1b7: {  	_ = 	snop  }
0x1b8: {  	[tilespmem:s10], [sflag:$0x3] =	stream.indirect_vreg.gather [hbm4b:s6+s3], $0x80, v3, vm0, $0xb8;
	[tilespmem:$0x1A600] =	vst v63  }
0x1b9: {  	s1 =	simm.s32 @!p0 $0x8  }
0x1ba: {  	[tilespmem:s11], [sflag:$0x3] =	stream.indirect_vreg.gather [hbm4b:s9+s3], $0x80, v3, vm0, $0xb8;
	[tilespmem:$0x1A600] =	vst v63  }
0x1bb: {  	_ =	swait.ge @!p0 [sflag:s1], $0xB00  }
0x1bc: {  	[sflag:s1] =	ssyncset.done @!p0 $0x0  }
0x1bd: {  	[sflag:s1] =	ssyncadd.s32 @!p0 $0xFFFFF500  }
0x1be: {  	_ =	swait.ge [sflag:s22], $0x8000  }
0x1bf: {  	[sflag:s22] =	ssyncset.done $0x0  }
0x1c0: {  	[sflag:s22] =	ssyncadd.s32 $0xFFFF8000  }
0x1c1: {  	v5 =	vld [tilespmem:s23+$0x0];
	_ =	sdelay $0x4  }
0x1c2: {  	s19 =	simm.s32 $0x0;
	v3 =	vshra.s32 v5, $0x1  }
0x1c3: {  	v6 =	vmov s19;
	v4 =	vshll.u32 v3, $0x3  }
0x1c4: {  	v7 =	vshll.u32 v6, $0x9;
	v3 =	vand.u32 $0x7F, v3;
	v4 =	vand.u32 $0xFFFFFC00, v4  }
0x1c5: {  	v7 =	vand.u32 $0x7000, v7;
	v8 =	vld [tilespmem:s23+$0x10];
	v3 =	vor.u32 v3, v4;
	v4 =	vshll.u32 v6, $0x7  }
0x1c6: {  	v9 =	vand.u32 $0x380, v4;
	v4 =	vadd.s32 v3, v7  }
0x1c7: {  	v4 =	vor.u32 v9, v4;
	_ =	sdelay $0x2  }
0x1c8: {  	v6 =	vshra.s32 v8, $0x1  }
0x1c9: {  	v10 =	vshll.u32 v6, $0x3  }
0x1ca: {  	v6 =	vand.u32 $0x7F, v6;
	v10 =	vand.u32 $0xFFFFFC00, v10;
	v11 =	vld.idx.msk [tilespmem:v4+s15+$0x0], $0xffff  }
0x1cb: {  	v12 =	vld [tilespmem:s23+$0x20];
	v4 =	vor.u32 v6, v10  }
0x1cc: {  	v6 =	vadd.s32 v4, v7  }
0x1cd: {  	v6 =	vor.u32 v9, v6  }
0x1ce: {  	v5 =	vand.u32 $0x1, v5  }
0x1cf: {  	vm1 =	veq.s32 v5, $0x0;
	v5 =	vshll.u32 v11, $0x10;
	v10 =	vand.u32 $0xFFFF0000, v11  }
0x1d0: {  	s1 =	simm.s32 $0x19B20;
	v5 =	vsel vm1, v5, v10;
	v10 =	vshra.s32 v12, $0x1  }
0x1d1: {  	v11 =	vld [tilespmem:s23+$0x28];
	[tilespmem:s1+$0xFFFFFFE0] =	vst v5;
	v5 =	vshll.u32 v10, $0x3  }
0x1d2: {  	v10 =	vand.u32 $0x7F, v10;
	v5 =	vand.u32 $0xFFFFFC00, v5;
	v6 =	vld.idx.msk [tilespmem:v6+s15+$0x0], $0xffff  }
0x1d3: {  	v5 =	vor.u32 v10, v5  }
0x1d4: {  	v10 =	vadd.s32 v5, v7  }
0x1d5: {  	v10 =	vor.u32 v9, v10  }
0x1d6: {  	v8 =	vand.u32 $0x1, v8  }
0x1d7: {  	vm2 =	veq.s32 v8, $0x0;
	v8 =	vshll.u32 v6, $0x10;
	v6 =	vand.u32 $0xFFFF0000, v6  }
0x1d8: {  	v6 =	vsel vm2, v8, v6;
	v8 =	vshra.s32 v11, $0x1  }
0x1d9: {  	[tilespmem:s1+$0xFFFFFFF0] =	vst v6;
	v6 =	vshll.u32 v8, $0x3  }
0x1da: {  	v8 =	vand.u32 $0x7F, v8;
	v6 =	vand.u32 $0xFFFFFC00, v6;
	v10 =	vld.idx.msk [tilespmem:v10+s15+$0x0], $0xffff  }
0x1db: {  	v6 =	vor.u32 v8, v6  }
0x1dc: {  	v7 =	vadd.s32 v6, v7  }
0x1dd: {  	v7 =	vor.u32 v9, v7  }
0x1de: {  	v8 =	vand.u32 $0x1, v12  }
0x1df: {  	vm4 =	veq.s32 v8, $0x0;
	v8 =	vshll.u32 v10, $0x10;
	v9 =	vand.u32 $0xFFFF0000, v10  }
0x1e0: {  	v8 =	vsel vm4, v8, v9  }
0x1e1: {  	s24 =	simm.s32 $0x1;
	v9 =	vand.u32 $0x1, v11;
	[tilespmem:s1+$0x0] =	vst v8  }
0x1e2: {  	s0 =	sor.u32 s4, s0;
	s8 =	simm.s32 $0x2;
	vm3 =	veq.s32 v9, $0x0;
	v8 =	vmov s24;
	v7 =	vld.idx.msk [tilespmem:v7+s15+$0x0], $0xffff  }
.LBB2_5:
0x1e3: {  	p0 =	sne.s32 s8, $0x31;
	v9 =	vshll.u32 v8, $0x9  }
0x1e4: {  	v8 =	vshll.u32 v8, $0x7;
	v9 =	vand.u32 $0x7000, v9  }
0x1e5: {  	v8 =	vand.u32 $0x380, v8;
	v10 =	vadd.s32 v3, v9  }
0x1e6: {  	v10 =	vor.u32 v8, v10;
	_ =	sdelay $0x1  }
0x1e7: {  	v11 =	vshll.u32 v7, $0x10;
	v7 =	vand.u32 $0xFFFF0000, v7  }
0x1e8: {  	v7 =	vsel vm3, v11, v7  }
0x1e9: {  	[tilespmem:s1+$0x8] =	vst v7  }
0x1ea: {  	v7 =	vld.idx.msk [tilespmem:v10+s15+$0x0], $0xffff;
	_ =	sdelay $0x2  }
0x1eb: {  	v10 =	vadd.s32 v4, v9  }
0x1ec: {  	v10 =	vor.u32 v8, v10;
	_ =	sdelay $0x1  }
0x1ed: {  	v11 =	vshll.u32 v7, $0x10;
	v7 =	vand.u32 $0xFFFF0000, v7  }
0x1ee: {  	s1 =	sadd.s32 $0x38, s1;
	v7 =	vsel vm1, v11, v7  }
0x1ef: {  	[tilespmem:s1+$0xFFFFFFE0] =	vst v7  }
0x1f0: {  	v7 =	vld.idx.msk [tilespmem:v10+s15+$0x0], $0xffff;
	_ =	sdelay $0x2  }
0x1f1: {  	v10 =	vadd.s32 v5, v9  }
0x1f2: {  	v10 =	vor.u32 v8, v10;
	_ =	sdelay $0x1  }
0x1f3: {  	v11 =	vshll.u32 v7, $0x10;
	v7 =	vand.u32 $0xFFFF0000, v7  }
0x1f4: {  	v7 =	vsel vm2, v11, v7  }
0x1f5: {  	[tilespmem:s1+$0xFFFFFFF0] =	vst v7  }
0x1f6: {  	v7 =	vld.idx.msk [tilespmem:v10+s15+$0x0], $0xffff;
	_ =	sdelay $0x2  }
0x1f7: {  	v9 =	vadd.s32 v6, v9  }
0x1f8: {  	v9 =	vor.u32 v8, v9  }
.Ltmp1:
0x1f9: {  	(pc) =	sbr.rel @p0 .LBB2_5-.Ltmp1, $4  }
0x1fa: {  	v8 =	vshll.u32 v7, $0x10;
	v7 =	vand.u32 $0xFFFF0000, v7  }
0x1fb: {  	v7 =	vsel vm4, v8, v7  }
0x1fc: {  	[tilespmem:s1+$0x0] =	vst v7  }
0x1fd: {  	v8 =	vmov s8;
	s8 =	sadd.s32 $0x1, s8;
	v7 =	vld.idx.msk [tilespmem:v9+s15+$0x0], $0xffff  }
0x1fe: {  	v9 =	vshll.u32 v8, $0x9  }
0x1ff: {  	v57 =	vshll.u32 v8, $0x7;
	v9 =	vand.u32 $0x7000, v9  }
0x200: {  	v8 =	vand.u32 $0x380, v57;
	v3 =	vadd.s32 v3, v9  }
0x201: {  	v3 =	vor.u32 v8, v3;
	_ =	sdelay $0x1  }
0x202: {  	v10 =	vshll.u32 v7, $0x10;
	v58 =	vand.u32 $0xFFFF0000, v7  }
0x203: {  	v7 =	vsel vm3, v10, v58  }
0x204: {  	[tilespmem:s1+$0x8] =	vst v7  }
0x205: {  	v3 =	vld.idx.msk [tilespmem:v3+s15+$0x0], $0xffff;
	_ =	sdelay $0x1  }
0x206: {  	v4 =	vadd.s32 v4, v9  }
0x207: {  	v4 =	vor.u32 v8, v4;
	_ =	sdelay $0x1  }
0x208: {  	v59 =	vshll.u32 v3, $0x10;
	v3 =	vand.u32 $0xFFFF0000, v3  }
0x209: {  	s19 =	sadd.s32 $0x38, s1;
	v3 =	vsel vm1, v59, v3  }
0x20a: {  	[tilespmem:s19+$0xFFFFFFE0] =	vst v3  }
0x20b: {  	v3 =	vld.idx.msk [tilespmem:v4+s15+$0x0], $0xffff;
	_ =	sdelay $0x1  }
0x20c: {  	v60 =	vadd.s32 v5, v9  }
0x20d: {  	v4 =	vor.u32 v8, v60;
	_ =	sdelay $0x1  }
0x20e: {  	v61 =	vshll.u32 v3, $0x10;
	v3 =	vand.u32 $0xFFFF0000, v3  }
0x20f: {  	v3 =	vsel vm2, v61, v3  }
0x210: {  	[tilespmem:s19+$0xFFFFFFF0] =	vst v3  }
0x211: {  	v3 =	vld.idx.msk [tilespmem:v4+s15+$0x0], $0xffff;
	_ =	sdelay $0x1  }
0x212: {  	v62 =	vadd.s32 v6, v9  }
0x213: {  	v4 =	vor.u32 v8, v62;
	_ =	sdelay $0x1  }
0x214: {  	v63 =	vshll.u32 v3, $0x10;
	v3 =	vand.u32 $0xFFFF0000, v3  }
0x215: {  	v3 =	vsel vm4, v63, v3  }
0x216: {  	[tilespmem:s19+$0x0] =	vst v3  }
0x217: {  	v3 =	vld.idx.msk [tilespmem:v4+s15+$0x0], $0xffff;
	_ =	sdelay $0x1  }
0x218: {  	s8 =	sshrl.u32 s0, $0x3  }
0x219: {  	s8 =	smul.u32 $0x5800, s8  }
0x21a: {  	s16 =	sand.u32 $0x380, s23  }
0x21b: {  	s8 =	sor.u32 s16, s8;
	v4 =	vshll.u32 v3, $0x10;
	v3 =	vand.u32 $0xFFFF0000, v3  }
0x21c: {  	s31 =	sadd.s32 $0x1, s31;
	s8 =	sshrl.u32 s8, $0x3;
	v3 =	vsel vm3, v4, v3  }
0x21d: {  	p0 =	sne.s32 s31, $0x10;
	s23 =	sadd.s32 s2, s8;
	[tilespmem:s19+$0x8] =	vst v3  }
0x21e: {  	[hbm4b:s23+s26] =	stream.strided.scatter [tilespmem:s30], [sflag:$0x8], $0xB00, s21, s26, $0x38;
	[tilespmem:$0x1A600] =	vst v63  }
.Ltmp2:
0x21f: {  	_ = 	snop;
	(pc) =	sbr.rel @p0 .LBB2_2-.Ltmp2, $4  }
0x220: {  	s24 =	smul.u32 $0x700, s0;
	_ =	swait.ge [sflag:s18], $0x4000  }
0x221: {  	[sflag:s18] =	ssyncset.done $0x0  }
0x222: {  	s0 =	sadd.s32 s7, s24;
	[sflag:s18] =	ssyncadd.s32 $0xFFFFC000  }
0x223: {  	[hbm4b:s0+s3] =	stream.linear.scatter [tilespmem:s13], [sflag:$0x6], $0x3800, $0x38;
	[tilespmem:$0x1A600] =	vst v63  }
0x224: {  	_ =	swait.ge [sflag:s14], $0x4000  }
0x225: {  	[sflag:s14] =	ssyncset.done $0x0  }
0x226: {  	[sflag:s14] =	ssyncadd.s32 $0xFFFFC000  }
0x227: {  	_ =	swait.ge [sflag:s17], $0x8000  }
0x228: {  	[sflag:s17] =	ssyncset.done $0x0  }
0x229: {  	s0 =	simm.s32 $0x6;
	[sflag:s17] =	ssyncadd.s32 $0xFFFF8000  }
0x22a: {  	_ =	swait.ge [sflag:s0], $0x3800  }
0x22b: {  	[sflag:s0] =	ssyncset.done $0x0  }
0x22c: {  	s24 =	simm.s32 $0x7;
	[sflag:s0] =	ssyncadd.s32 $0xFFFFC800  }
0x22d: {  	_ =	swait.ge [sflag:s24], $0xB00  }
0x22e: {  	[sflag:s24] =	ssyncset.done $0x0  }
0x22f: {  	s1 =	simm.s32 $0x8;
	[sflag:s24] =	ssyncadd.s32 $0xFFFFF500  }
0x230: {  	_ =	swait.ge [sflag:s1], $0xB00  }
0x231: {  	s8 =	rddreg [dreg:$0x5]  }
0x232: {  	s31 =	rddreg [dreg:$0x4];
	s8 =	sadd.s32 $0x1, s8  }
0x233: {  	p0 =	sne.s32 s8, s31  }
.Ltmp3:
0x234: {  	_ = 	snop;
	(pc) =	sbr.rel @p0 .LBB2_1-.Ltmp3, $3  }
0x235: {  	_ =	sdelay $0x1  }
0x236: {  	[sflag:s1] =	ssyncset.done $0x0  }
0x237: {  	[sflag:s1] =	ssyncadd.s32 $0xFFFFF500  }
0x238: {  	_ =	sfence.sel $0x180000  }
0x239: {  	[bflag:$0x0] =	sbarrier.arrive $0xFFFF  }
0x23a: {  	_ =	strace $0x90000047  }
0x23b: {  	s0 =	stileid.u32;
	[bflag:$0x2] =	sbarrier.arrive $0xFFFF  }
0x23c: {  	p0 =	sne.s32 s0, $0x0;
	s0 =	rddreg [dreg:$0x2]  }
0x23d: {  	s0 =	sadd.s32 @!p0 $0x100000, s0  }
0x23e: {  	[sflag:s0] =	ssyncadd.tile.s32 @!p0 $0x1;
	_ =	shalt  }
.Lfunc_end2:
_tile_overlayer_lowered:
.L_overlay_start_2:
0x23f: {  	(tag) =	ssettag $0x2  }
0x240: {  	s0 =	rddreg [dreg:$0x0];
	s2 =	stileid.u32  }
0x241: {  	s1 =	rddreg [dreg:$0x1];
	p0 =	sne.s32 s2, $0x0  }
0x242: {  	s3 =	rddreg [dreg:$0x2];
	[bflag:$0x3] =	sbarrier.arrive $0xFFFF;
	s2 =	simm.s32 @!p0 $0x1C09  }
0x243: {  	[timem:s3], [sflag:s2] =	dma.local @!p0 [hbm:s0], s1  }
0x244: {  	s0 =	simm.s32 @!p0 $0x9  }
0x245: {  	_ =	swait.ge @!p0 [sflag:s0], s1  }
0x246: {  	s1 =	ssub.s32 @!p0 $0x0, s1;
	[sflag:s0] =	ssyncset.done @!p0 $0x0  }
0x247: {  	[sflag:s0] =	ssyncadd.s32 @!p0 s1  }
0x248: {  	[bflag:$0x3] =	sbarrier.arrive $0xFFFF  }
0x249: {  	_ =	shalt  }

</sc_bundles>
